<compile_context>
chip_gen: v7x
topology: tpu7x:2x2x1
jax: 0.10.2.dev20260603
libtpu: 0.0.44.dev20260713+nightly
codegen_flags: <defaults>
</compile_context>

<pallas_src>
import functools

import jax
import jax.numpy as jnp
from jax import lax
from jax.experimental import pallas as pl
from jax.experimental.pallas import tpu as pltpu
from jax.experimental.pallas import tpu_sc as plsc

NUM_EXPERTS = 8
TOP_K = 2
D_MODEL = 1024
D_FF = 512
T_TOK = 2048
NSLOT = T_TOK * TOP_K
BBLK = 256
CAP = NSLOT + NUM_EXPERTS * BBLK
NB = CAP // BBLK
CHUNK = 256
NW = 32
TKW = T_TOK // NW
SLW = NSLOT // NW


def _dot(a, b):
    return jax.lax.dot_general(
        a, b, (((1,), (0,)), ((), ())), preferred_element_type=jnp.float32
    )



def _router_kernel(x_ref, gate_ref, dest_ref, tw_ref, bmeta_ref):
    x = x_ref[...]

    logits = _dot(x, gate_ref[...])
    m = jnp.max(logits, axis=-1, keepdims=True)
    ee = jnp.exp(logits - m)
    probs = ee / jnp.sum(ee, axis=-1, keepdims=True)

    iota = lax.broadcasted_iota(jnp.int32, probs.shape, 1)
    w1 = jnp.max(probs, axis=-1, keepdims=True)
    is1 = probs == w1
    i1 = jnp.min(jnp.where(is1, iota, NUM_EXPERTS), axis=-1, keepdims=True)
    mask1 = iota == i1
    probs2 = jnp.where(mask1, -jnp.inf, probs)
    w2 = jnp.max(probs2, axis=-1, keepdims=True)
    is2 = probs2 == w2
    i2 = jnp.min(jnp.where(is2, iota, NUM_EXPERTS), axis=-1, keepdims=True)
    mask2 = iota == i2
    denom = w1 + w2
    tw_ref[...] = jnp.concatenate([w1 / denom, w2 / denom], axis=1)

    cnt = (mask1 | mask2).astype(jnp.float32)
    r = lax.broadcasted_iota(jnp.int32, (CHUNK, CHUNK), 0)
    c = lax.broadcasted_iota(jnp.int32, (CHUNK, CHUNK), 1)
    ltri = (c < r).astype(jnp.bfloat16)
    run = jnp.zeros((1, NUM_EXPERTS), jnp.float32)
    parts = []
    for ch in range(T_TOK // CHUNK):
        cnt_c = cnt[ch * CHUNK:(ch + 1) * CHUNK]
        cc = _dot(ltri, cnt_c.astype(jnp.bfloat16))
        parts.append(cc + run)
        run = run + jnp.sum(cnt_c, axis=0, keepdims=True)
    colcum = jnp.concatenate(parts, axis=0)
    counts = run

    pcount = jnp.floor((counts + (BBLK - 1)) * (1.0 / BBLK)) * BBLK
    ur = lax.broadcasted_iota(jnp.int32, (NUM_EXPERTS, NUM_EXPERTS), 0)
    uc = lax.broadcasted_iota(jnp.int32, (NUM_EXPERTS, NUM_EXPERTS), 1)
    utri = (ur < uc).astype(jnp.bfloat16)
    base = _dot(pcount.astype(jnp.bfloat16), utri)

    dval = base + colcum
    d0 = jnp.sum(jnp.where(mask1, dval, 0.0), axis=-1, keepdims=True)
    d1 = jnp.sum(jnp.where(mask2, dval, 0.0), axis=-1, keepdims=True)
    dest_ref[...] = jnp.concatenate([d0, d1], axis=1).astype(jnp.int32)

    eidx = lax.broadcasted_iota(jnp.int32, (1, NUM_EXPERTS), 1).astype(jnp.float32)
    bes = []
    for b in range(NB):
        lo = float(b * BBLK)
        ind = (lo >= base) & (lo < base + pcount)
        bes.append(jnp.sum(jnp.where(ind, eidx, 0.0), axis=-1, keepdims=True))
    nb = jnp.sum(pcount, axis=-1, keepdims=True) * (1.0 / BBLK)
    pad = jnp.zeros((1, 7), jnp.float32)
    bmeta_ref[...] = jnp.concatenate(bes + [nb, pad], axis=1).astype(jnp.int32)


def _k1_call(hidden_states, gate_w):
    return pl.pallas_call(
        _router_kernel,
        in_specs=[
            pl.BlockSpec((T_TOK, D_MODEL), lambda: (0, 0)),
            pl.BlockSpec((D_MODEL, NUM_EXPERTS), lambda: (0, 0)),
        ],
        out_specs=[
            pl.BlockSpec((T_TOK, 2), lambda: (0, 0)),
            pl.BlockSpec((T_TOK, 2), lambda: (0, 0)),
            pl.BlockSpec((1, 32), lambda: (0, 0)),
        ],
        out_shape=[
            jax.ShapeDtypeStruct((T_TOK, 2), jnp.int32),
            jax.ShapeDtypeStruct((T_TOK, 2), jnp.float32),
            jax.ShapeDtypeStruct((1, 32), jnp.int32),
        ],
    )(hidden_states, gate_w)



def _k2_scatter(x_bf3, dest0, dest1):
    mesh = plsc.VectorSubcoreMesh(core_axis_name="c", subcore_axis_name="s")

    @functools.partial(
        pl.kernel, mesh=mesh,
        out_type=jax.ShapeDtypeStruct((CAP, 8, 128), jnp.float32),
        scratch_types=[
            pltpu.VMEM((2, TKW), jnp.int32),
            pltpu.VMEM((TKW, 8, 128), jnp.float32),
            pltpu.SemaphoreType.DMA,
        ],
    )
    def k(x_hbm, d0_hbm, d1_hbm, xp_hbm, idx_v, rows_v, sem):
        wid = lax.axis_index("s") * 2 + lax.axis_index("c")
        base = wid * TKW
        pltpu.sync_copy(d0_hbm.at[pl.ds(base, TKW)], idx_v.at[0])
        pltpu.sync_copy(d1_hbm.at[pl.ds(base, TKW)], idx_v.at[1])
        pltpu.sync_copy(x_hbm.at[pl.ds(base, TKW)], rows_v)
        pltpu.async_copy(rows_v, xp_hbm.at[idx_v.at[0]], sem).wait()
        pltpu.async_copy(rows_v, xp_hbm.at[idx_v.at[1]], sem).wait()

    return k(x_bf3, dest0, dest1)



def _ffn_kernel(bmeta_ref, x_ref, w1_ref, b1_ref, w2_ref, b2_ref, out_ref):
    i = pl.program_id(0)
    nb = bmeta_ref[0, NB]

    @pl.when(i < nb)
    def _():
        ex = bmeta_ref[0, i]
        x = x_ref[...]
        h = _dot(x, w1_ref[ex]) + b1_ref[ex]
        h = jax.nn.gelu(h)
        y = _dot(h, w2_ref[ex]) + b2_ref[ex]
        out_ref[...] = y


def _k3_call(bmeta, x_perm2, W1, b1, W2, b2):
    full = lambda *shape: pl.BlockSpec(shape, lambda i: (0,) * len(shape))
    return pl.pallas_call(
        _ffn_kernel,
        grid=(NB,),
        in_specs=[
            pl.BlockSpec(memory_space=pltpu.SMEM),
            pl.BlockSpec((BBLK, D_MODEL), lambda i: (i, 0)),
            full(NUM_EXPERTS, D_MODEL, D_FF),
            full(NUM_EXPERTS, 1, D_FF),
            full(NUM_EXPERTS, D_FF, D_MODEL),
            full(NUM_EXPERTS, 1, D_MODEL),
        ],
        out_specs=pl.BlockSpec((BBLK, D_MODEL), lambda i: (i, 0)),
        out_shape=jax.ShapeDtypeStruct((CAP, D_MODEL), jnp.float32),
    )(bmeta, x_perm2, W1, b1.reshape(NUM_EXPERTS, 1, D_FF), W2,
      b2.reshape(NUM_EXPERTS, 1, D_MODEL))



def _k4_gather(y_perm3, destflat):
    mesh = plsc.VectorSubcoreMesh(core_axis_name="c", subcore_axis_name="s")

    half = SLW // 2

    @functools.partial(
        pl.kernel, mesh=mesh,
        out_type=jax.ShapeDtypeStruct((NSLOT, 8, 128), jnp.float32),
        scratch_types=[
            pltpu.VMEM((half,), jnp.int32),
            pltpu.VMEM((half,), jnp.int32),
            pltpu.VMEM((half, 8, 128), jnp.float32),
            pltpu.SemaphoreType.DMA,
        ],
    )
    def k(yp_hbm, df_hbm, ys_hbm, i0_v, i1_v, rows_v, sem):
        wid = lax.axis_index("s") * 2 + lax.axis_index("c")
        base = wid * SLW
        pltpu.sync_copy(df_hbm.at[pl.ds(base, half)], i0_v)
        pltpu.sync_copy(df_hbm.at[pl.ds(base + half, half)], i1_v)
        pltpu.async_copy(yp_hbm.at[i0_v], rows_v, sem).wait()
        pltpu.sync_copy(rows_v, ys_hbm.at[pl.ds(base, half)])
        pltpu.async_copy(yp_hbm.at[i1_v], rows_v, sem).wait()
        pltpu.sync_copy(rows_v, ys_hbm.at[pl.ds(base + half, half)])

    return k(y_perm3, destflat)



K5_TB = 512


def _combine_kernel(x_ref, ys_ref, tw_ref, sw1_ref, sb1_ref, sw2_ref,
                    sb2_ref, sgw_ref, sgb_ref, out_ref):
    x = x_ref[...]
    hs = _dot(x, sw1_ref[...]) + sb1_ref[...]
    hs = jax.nn.gelu(hs)
    ysh = _dot(hs, sw2_ref[...]) + sb2_ref[...]
    glog = _dot(x, sgw_ref[...]) + sgb_ref[...]
    g = jax.nn.sigmoid(glog)
    w0 = tw_ref[:, 0:1]
    w1 = tw_ref[:, 1:2]
    out_ref[...] = w0 * ys_ref[0] + w1 * ys_ref[1] + g * ysh


def _k5_call(hidden_states, y_slot, tw, shared_W1, sb1_2d, shared_W2,
             sb2_2d, sgate_w, sgb_2d):
    full = lambda *shape: pl.BlockSpec(shape, lambda i: (0,) * len(shape))
    return pl.pallas_call(
        _combine_kernel,
        grid=(T_TOK // K5_TB,),
        in_specs=[
            pl.BlockSpec((K5_TB, D_MODEL), lambda i: (i, 0)),
            pl.BlockSpec((2, K5_TB, D_MODEL), lambda i: (0, i, 0)),
            pl.BlockSpec((K5_TB, 2), lambda i: (i, 0)),
            full(D_MODEL, D_FF),
            full(1, D_FF),
            full(D_FF, D_MODEL),
            full(1, D_MODEL),
            full(D_MODEL, 1),
            full(1, 1),
        ],
        out_specs=pl.BlockSpec((K5_TB, D_MODEL), lambda i: (i, 0)),
        out_shape=jax.ShapeDtypeStruct((T_TOK, D_MODEL), jnp.float32),
    )(hidden_states, y_slot, tw, shared_W1, sb1_2d, shared_W2, sb2_2d,
      sgate_w, sgb_2d)


@jax.jit
def kernel(hidden_states, gate_w, W1, b1, W2, b2, shared_W1, shared_b1,
           shared_W2, shared_b2, sgate_w, sgate_b):
    dest, tw, bmeta = _k1_call(hidden_states, gate_w)

    x3 = hidden_states.reshape(T_TOK, 8, 128)
    dest0 = dest[:, 0]
    dest1 = dest[:, 1]
    x_perm3 = _k2_scatter(x3, dest0, dest1)

    y_perm2 = _k3_call(bmeta, x_perm3.reshape(CAP, D_MODEL), W1, b1, W2, b2)

    destflat = jnp.concatenate([dest0, dest1], axis=0)
    y_slot3 = _k4_gather(y_perm2.reshape(CAP, 8, 128), destflat)

    y_slot = y_slot3.reshape(2, T_TOK, D_MODEL)
    sb1_2d = shared_b1.reshape(1, D_FF)
    sb2_2d = shared_b2.reshape(1, D_MODEL)
    sgb_2d = sgate_b.reshape(1, 1)
    return _k5_call(hidden_states, y_slot, tw, shared_W1, sb1_2d,
                    shared_W2, sb2_2d, sgate_w, sgb_2d)

# --- scband reference (transcript-rebuilt; emitter-appended) ---
"""Pipeline reference for scband-mo-elayer-8504035246348 (READ-ONLY COPY).

The authoritative reference and input builder live on the scoring server;
editing this copy changes nothing except your own understanding.
"""

import jax, jax.numpy as jnp
import numpy as np

NUM_EXPERTS = 8
TOP_K = 2
D_MODEL = 1024
D_FF = 512
SHARED_D_FF = 512
T = 2048


def setup_inputs(seed: int = 0) -> dict:
    key = jax.random.key(seed)
    ks = jax.random.split(key, 12)
    inp = {}
    inp["hidden_states"] = jax.random.normal(ks[0], (T, D_MODEL), dtype=jnp.float32)
    inp["gate_w"] = jax.random.normal(ks[1], (D_MODEL, NUM_EXPERTS), dtype=jnp.float32) * 0.02
    inp["W1"] = jax.random.normal(ks[2], (NUM_EXPERTS, D_MODEL, D_FF), dtype=jnp.float32) * 0.02
    inp["b1"] = jnp.zeros((NUM_EXPERTS, D_FF), dtype=jnp.float32)
    inp["W2"] = jax.random.normal(ks[3], (NUM_EXPERTS, D_FF, D_MODEL), dtype=jnp.float32) * 0.02
    inp["b2"] = jnp.zeros((NUM_EXPERTS, D_MODEL), dtype=jnp.float32)
    inp["shared_W1"] = jax.random.normal(ks[4], (D_MODEL, SHARED_D_FF), dtype=jnp.float32) * 0.02
    inp["shared_b1"] = jnp.zeros((SHARED_D_FF,), dtype=jnp.float32)
    inp["shared_W2"] = jax.random.normal(ks[5], (SHARED_D_FF, D_MODEL), dtype=jnp.float32) * 0.02
    inp["shared_b2"] = jnp.zeros((D_MODEL,), dtype=jnp.float32)
    inp["sgate_w"] = jax.random.normal(ks[6], (D_MODEL, 1), dtype=jnp.float32) * 0.02
    inp["sgate_b"] = jnp.zeros((1,), dtype=jnp.float32)
    return inp


def reference(hidden_states, gate_w, W1, b1, W2, b2, shared_W1, shared_b1, shared_W2, shared_b2, sgate_w, sgate_b):
    # Router: gate returns raw logits -> softmax(float32) -> top_k -> normalize
    router_logits = hidden_states @ gate_w  # [T, E]
    probs = jax.nn.softmax(router_logits.astype(jnp.float32), axis=-1)
    topk_weights, topk_indices = jax.lax.top_k(probs, TOP_K)  # [T, k]
    topk_weights = topk_weights / jnp.sum(topk_weights, axis=-1, keepdims=True)  # norm_topk_prob
    topk_weights = topk_weights.astype(hidden_states.dtype)

    # Dispatch/combine: equivalent dense formulation of permute -> per-expert MLP -> unpermute
    # combine[t, e] = sum_k topk_weights[t, k] * 1[topk_indices[t, k] == e]
    onehot = jax.nn.one_hot(topk_indices, NUM_EXPERTS, dtype=hidden_states.dtype)  # [T, k, E]
    combine = jnp.einsum('tk,tke->te', topk_weights, onehot)  # [T, E]

    # Expert MLPs (2-layer GELU)
    h = jnp.einsum('td,edf->tef', hidden_states, W1) + b1[None]  # [T, E, d_ff]
    h = jax.nn.gelu(h)
    y = jnp.einsum('tef,efd->ted', h, W2) + b2[None]  # [T, E, d_model]

    # (combined_hidden_states * topk_weights.unsqueeze(-1)).sum(dim=-2)
    final = jnp.einsum('ted,te->td', y, combine)  # [T, d_model]

    # Shared expert with sigmoid gate
    sh = jax.nn.gelu(hidden_states @ shared_W1 + shared_b1) @ shared_W2 + shared_b2
    g = jax.nn.sigmoid(hidden_states @ sgate_w + sgate_b)  # [T, 1]
    final = final + g * sh
    return final.astype(hidden_states.dtype)

if __name__ == "__main__":
    import jax
    _d = setup_inputs()
    print(jax.jit(kernel)(*tuple(_d.values())))

</pallas_src>

<mosaic_0001>
#map = affine_map<(d0, d1) -> (0, 0, 0)>
#map1 = affine_map<(d0, d1) -> (0)>
module attributes {stable_mosaic.version = 14 : i64} {
  func.func @k(%arg0: i32, %arg1: i32, %arg2: memref<6144x8x128xf32, #tpu.memory_space<hbm>>, %arg3: memref<4096xi32, #tpu.memory_space<hbm>>, %arg4: memref<4096x8x128xf32, #tpu.memory_space<hbm>>, %arg5: memref<64xi32, #tpu.memory_space<vmem>>, %arg6: memref<64xi32, #tpu.memory_space<vmem>>, %arg7: memref<64x8x128xf32, #tpu.memory_space<vmem>>, %arg8: memref<!tpu.dma_semaphore, #tpu.memory_space<semaphore_mem>>) attributes {dimension_semantics = [#tpu.dimension_semantics<core_parallel>, #tpu.dimension_semantics<subcore_parallel>], iteration_bounds = array<i64: 2, 16>, scalar_prefetch = 0 : i64, scratch_operands = 4 : i64, tpu.core_type = #tpu.core_type<sc_vector_subcore>, window_params = [{transform_indices = #map}, {transform_indices = #map1}, {transform_indices = #map}]} {
    %mul3A = arith.constant 2 : i32
    %mul3A_0 = arith.muli %arg1, %mul3A : i32
    %add3A = arith.addi %mul3A_0, %arg0 : i32
    %mul3A_1 = arith.constant 128 : i32
    %mul3A_2 = arith.muli %add3A, %mul3A_1 : i32
    "tpu.region"() ({
      %run_scoped3A = tpu.sem_alloc : memref<!tpu.dma_semaphore, #tpu.memory_space<semaphore_mem>>
      %dma_start3A_21 = tpu.memref_slice %arg3[%mul3A_2] : memref<4096xi32, #tpu.memory_space<hbm>> -> memref<64xi32, #tpu.memory_space<hbm>>
      %dma_start3A_22 = tpu.memref_slice %arg3[%mul3A_2] : memref<4096xi32, #tpu.memory_space<hbm>> -> memref<64xi32, #tpu.memory_space<hbm>>
      tpu.enqueue_dma source(%dma_start3A_22 : memref<64xi32, #tpu.memory_space<hbm>>) target(%arg5 : memref<64xi32, #tpu.memory_space<vmem>>) target_semaphore(%run_scoped3A : memref<!tpu.dma_semaphore, #tpu.memory_space<semaphore_mem>>)
      %dma_wait3A_23 = tpu.memref_slice %arg3[%mul3A_2] : memref<4096xi32, #tpu.memory_space<hbm>> -> memref<64xi32, #tpu.memory_space<hbm>>
      %dma_wait3A_24 = tpu.memref_slice %arg3[%mul3A_2] : memref<4096xi32, #tpu.memory_space<hbm>> -> memref<64xi32, #tpu.memory_space<hbm>>
      tpu.wait_dma2 semaphore(%run_scoped3A : memref<!tpu.dma_semaphore, #tpu.memory_space<semaphore_mem>>) src(%dma_wait3A_24 : memref<64xi32, #tpu.memory_space<hbm>>) dst(%arg5 : memref<64xi32, #tpu.memory_space<vmem>>)
      tpu.yield
    }) : () -> ()
    %add3A_3 = arith.constant 64 : i32
    %add3A_4 = arith.addi %mul3A_2, %add3A_3 : i32
    "tpu.region"() ({
      %run_scoped3A = tpu.sem_alloc : memref<!tpu.dma_semaphore, #tpu.memory_space<semaphore_mem>>
      %dma_start3A_21 = tpu.memref_slice %arg3[%add3A_4] : memref<4096xi32, #tpu.memory_space<hbm>> -> memref<64xi32, #tpu.memory_space<hbm>>
      %dma_start3A_22 = tpu.memref_slice %arg3[%add3A_4] : memref<4096xi32, #tpu.memory_space<hbm>> -> memref<64xi32, #tpu.memory_space<hbm>>
      tpu.enqueue_dma source(%dma_start3A_22 : memref<64xi32, #tpu.memory_space<hbm>>) target(%arg6 : memref<64xi32, #tpu.memory_space<vmem>>) target_semaphore(%run_scoped3A : memref<!tpu.dma_semaphore, #tpu.memory_space<semaphore_mem>>)
      %dma_wait3A_23 = tpu.memref_slice %arg3[%add3A_4] : memref<4096xi32, #tpu.memory_space<hbm>> -> memref<64xi32, #tpu.memory_space<hbm>>
      %dma_wait3A_24 = tpu.memref_slice %arg3[%add3A_4] : memref<4096xi32, #tpu.memory_space<hbm>> -> memref<64xi32, #tpu.memory_space<hbm>>
      tpu.wait_dma2 semaphore(%run_scoped3A : memref<!tpu.dma_semaphore, #tpu.memory_space<semaphore_mem>>) src(%dma_wait3A_24 : memref<64xi32, #tpu.memory_space<hbm>>) dst(%arg6 : memref<64xi32, #tpu.memory_space<vmem>>)
      tpu.yield
    }) : () -> ()
    %dma_start3A = arith.constant 0 : i32
    %dma_start3A_5 = arith.constant 0 : i32
    %dma_start3A_6 = arith.constant 0 : i32
    %dma_start3A_7 = tpu.memref_slice %arg2[%dma_start3A, %dma_start3A_5, %dma_start3A_6] : memref<6144x8x128xf32, #tpu.memory_space<hbm>> -> memref<6144x8x128xf32, #tpu.memory_space<hbm>>
    tpu.enqueue_indirect_dma source(%dma_start3A_7 : memref<6144x8x128xf32, #tpu.memory_space<hbm>>) target(%arg7 : memref<64x8x128xf32, #tpu.memory_space<vmem>>) offsets(%arg5 : memref<64xi32, #tpu.memory_space<vmem>>) semaphore(%arg8 : memref<!tpu.dma_semaphore, #tpu.memory_space<semaphore_mem>>)
    %dma_wait3A = arith.constant 0 : i32
    %dma_wait3A_8 = arith.constant 0 : i32
    %dma_wait3A_9 = arith.constant 0 : i32
    %dma_wait3A_10 = tpu.memref_slice %arg2[%dma_wait3A, %dma_wait3A_8, %dma_wait3A_9] : memref<6144x8x128xf32, #tpu.memory_space<hbm>> -> memref<6144x8x128xf32, #tpu.memory_space<hbm>>
    tpu.wait_indirect_dma semaphore(%arg8 : memref<!tpu.dma_semaphore, #tpu.memory_space<semaphore_mem>>) src(%dma_wait3A_10 : memref<6144x8x128xf32, #tpu.memory_space<hbm>>) dst(%arg7 : memref<64x8x128xf32, #tpu.memory_space<vmem>>)
    "tpu.region"() ({
      %run_scoped3A = tpu.sem_alloc : memref<!tpu.dma_semaphore, #tpu.memory_space<semaphore_mem>>
      %dma_start3A_21 = arith.constant 0 : i32
      %dma_start3A_22 = arith.constant 0 : i32
      %dma_start3A_23 = tpu.memref_slice %arg4[%mul3A_2, %dma_start3A_21, %dma_start3A_22] : memref<4096x8x128xf32, #tpu.memory_space<hbm>> -> memref<64x8x128xf32, #tpu.memory_space<hbm>>
      %dma_start3A_24 = arith.constant 0 : i32
      %dma_start3A_25 = arith.constant 0 : i32
      %dma_start3A_26 = tpu.memref_slice %arg4[%mul3A_2, %dma_start3A_24, %dma_start3A_25] : memref<4096x8x128xf32, #tpu.memory_space<hbm>> -> memref<64x8x128xf32, #tpu.memory_space<hbm>>
      tpu.enqueue_dma source(%arg7 : memref<64x8x128xf32, #tpu.memory_space<vmem>>) target(%dma_start3A_26 : memref<64x8x128xf32, #tpu.memory_space<hbm>>) target_semaphore(%run_scoped3A : memref<!tpu.dma_semaphore, #tpu.memory_space<semaphore_mem>>)
      %dma_wait3A_27 = arith.constant 0 : i32
      %dma_wait3A_28 = arith.constant 0 : i32
      %dma_wait3A_29 = tpu.memref_slice %arg4[%mul3A_2, %dma_wait3A_27, %dma_wait3A_28] : memref<4096x8x128xf32, #tpu.memory_space<hbm>> -> memref<64x8x128xf32, #tpu.memory_space<hbm>>
      %dma_wait3A_30 = arith.constant 0 : i32
      %dma_wait3A_31 = arith.constant 0 : i32
      %dma_wait3A_32 = tpu.memref_slice %arg4[%mul3A_2, %dma_wait3A_30, %dma_wait3A_31] : memref<4096x8x128xf32, #tpu.memory_space<hbm>> -> memref<64x8x128xf32, #tpu.memory_space<hbm>>
      tpu.wait_dma2 semaphore(%run_scoped3A : memref<!tpu.dma_semaphore, #tpu.memory_space<semaphore_mem>>) src(%arg7 : memref<64x8x128xf32, #tpu.memory_space<vmem>>) dst(%dma_wait3A_32 : memref<64x8x128xf32, #tpu.memory_space<hbm>>)
      tpu.yield
    }) : () -> ()
    %dma_start3A_11 = arith.constant 0 : i32
    %dma_start3A_12 = arith.constant 0 : i32
    %dma_start3A_13 = arith.constant 0 : i32
    %dma_start3A_14 = tpu.memref_slice %arg2[%dma_start3A_11, %dma_start3A_12, %dma_start3A_13] : memref<6144x8x128xf32, #tpu.memory_space<hbm>> -> memref<6144x8x128xf32, #tpu.memory_space<hbm>>
    tpu.enqueue_indirect_dma source(%dma_start3A_14 : memref<6144x8x128xf32, #tpu.memory_space<hbm>>) target(%arg7 : memref<64x8x128xf32, #tpu.memory_space<vmem>>) offsets(%arg6 : memref<64xi32, #tpu.memory_space<vmem>>) semaphore(%arg8 : memref<!tpu.dma_semaphore, #tpu.memory_space<semaphore_mem>>)
    %dma_wait3A_15 = arith.constant 0 : i32
    %dma_wait3A_16 = arith.constant 0 : i32
    %dma_wait3A_17 = arith.constant 0 : i32
    %dma_wait3A_18 = tpu.memref_slice %arg2[%dma_wait3A_15, %dma_wait3A_16, %dma_wait3A_17] : memref<6144x8x128xf32, #tpu.memory_space<hbm>> -> memref<6144x8x128xf32, #tpu.memory_space<hbm>>
    tpu.wait_indirect_dma semaphore(%arg8 : memref<!tpu.dma_semaphore, #tpu.memory_space<semaphore_mem>>) src(%dma_wait3A_18 : memref<6144x8x128xf32, #tpu.memory_space<hbm>>) dst(%arg7 : memref<64x8x128xf32, #tpu.memory_space<vmem>>)
    %add3A_19 = arith.constant 64 : i32
    %add3A_20 = arith.addi %mul3A_2, %add3A_19 : i32
    "tpu.region"() ({
      %run_scoped3A = tpu.sem_alloc : memref<!tpu.dma_semaphore, #tpu.memory_space<semaphore_mem>>
      %dma_start3A_21 = arith.constant 0 : i32
      %dma_start3A_22 = arith.constant 0 : i32
      %dma_start3A_23 = tpu.memref_slice %arg4[%add3A_20, %dma_start3A_21, %dma_start3A_22] : memref<4096x8x128xf32, #tpu.memory_space<hbm>> -> memref<64x8x128xf32, #tpu.memory_space<hbm>>
      %dma_start3A_24 = arith.constant 0 : i32
      %dma_start3A_25 = arith.constant 0 : i32
      %dma_start3A_26 = tpu.memref_slice %arg4[%add3A_20, %dma_start3A_24, %dma_start3A_25] : memref<4096x8x128xf32, #tpu.memory_space<hbm>> -> memref<64x8x128xf32, #tpu.memory_space<hbm>>
      tpu.enqueue_dma source(%arg7 : memref<64x8x128xf32, #tpu.memory_space<vmem>>) target(%dma_start3A_26 : memref<64x8x128xf32, #tpu.memory_space<hbm>>) target_semaphore(%run_scoped3A : memref<!tpu.dma_semaphore, #tpu.memory_space<semaphore_mem>>)
      %dma_wait3A_27 = arith.constant 0 : i32
      %dma_wait3A_28 = arith.constant 0 : i32
      %dma_wait3A_29 = tpu.memref_slice %arg4[%add3A_20, %dma_wait3A_27, %dma_wait3A_28] : memref<4096x8x128xf32, #tpu.memory_space<hbm>> -> memref<64x8x128xf32, #tpu.memory_space<hbm>>
      %dma_wait3A_30 = arith.constant 0 : i32
      %dma_wait3A_31 = arith.constant 0 : i32
      %dma_wait3A_32 = tpu.memref_slice %arg4[%add3A_20, %dma_wait3A_30, %dma_wait3A_31] : memref<4096x8x128xf32, #tpu.memory_space<hbm>> -> memref<64x8x128xf32, #tpu.memory_space<hbm>>
      tpu.wait_dma2 semaphore(%run_scoped3A : memref<!tpu.dma_semaphore, #tpu.memory_space<semaphore_mem>>) src(%arg7 : memref<64x8x128xf32, #tpu.memory_space<vmem>>) dst(%dma_wait3A_32 : memref<64x8x128xf32, #tpu.memory_space<hbm>>)
      tpu.yield
    }) : () -> ()
    return
  }
}

#map = affine_map<(d0, d1) -> (0, 0, 0)>
#map1 = affine_map<(d0, d1) -> (0)>
module attributes {stable_mosaic.version = 14 : i64} {
  func.func @k(%arg0: i32, %arg1: i32, %arg2: memref<2048x8x128xf32, #tpu.memory_space<hbm>>, %arg3: memref<2048xi32, #tpu.memory_space<hbm>>, %arg4: memref<2048xi32, #tpu.memory_space<hbm>>, %arg5: memref<6144x8x128xf32, #tpu.memory_space<hbm>>, %arg6: memref<2x64xi32, #tpu.memory_space<vmem>>, %arg7: memref<64x8x128xf32, #tpu.memory_space<vmem>>, %arg8: memref<!tpu.dma_semaphore, #tpu.memory_space<semaphore_mem>>) attributes {dimension_semantics = [#tpu.dimension_semantics<core_parallel>, #tpu.dimension_semantics<subcore_parallel>], iteration_bounds = array<i64: 2, 16>, scalar_prefetch = 0 : i64, scratch_operands = 3 : i64, tpu.core_type = #tpu.core_type<sc_vector_subcore>, window_params = [{transform_indices = #map}, {transform_indices = #map1}, {transform_indices = #map1}, {transform_indices = #map}]} {
    %mul3A = arith.constant 2 : i32
    %mul3A_0 = arith.muli %arg1, %mul3A : i32
    %add3A = arith.addi %mul3A_0, %arg0 : i32
    %mul3A_1 = arith.constant 64 : i32
    %mul3A_2 = arith.muli %add3A, %mul3A_1 : i32
    %run_scoped3A = arith.constant 0 : i32
    "tpu.region"() ({
      %run_scoped3A_34 = tpu.sem_alloc : memref<!tpu.dma_semaphore, #tpu.memory_space<semaphore_mem>>
      %dma_start3A_35 = arith.constant 0 : i32
      %dma_start3A_36 = tpu.memref_slice %arg6[%run_scoped3A, %dma_start3A_35] : memref<2x64xi32, #tpu.memory_space<vmem>> -> memref<1x64xi32, #tpu.memory_space<vmem>>
      %dma_start3A_37 = tpu.memref_squeeze %dma_start3A_36 : memref<1x64xi32, #tpu.memory_space<vmem>> -> memref<64xi32, #tpu.memory_space<vmem>>
      %dma_start3A_38 = tpu.memref_slice %arg3[%mul3A_2] : memref<2048xi32, #tpu.memory_space<hbm>> -> memref<64xi32, #tpu.memory_space<hbm>>
      %dma_start3A_39 = arith.constant 0 : i32
      %dma_start3A_40 = tpu.memref_slice %arg6[%run_scoped3A, %dma_start3A_39] : memref<2x64xi32, #tpu.memory_space<vmem>> -> memref<1x64xi32, #tpu.memory_space<vmem>>
      %dma_start3A_41 = tpu.memref_squeeze %dma_start3A_40 : memref<1x64xi32, #tpu.memory_space<vmem>> -> memref<64xi32, #tpu.memory_space<vmem>>
      %dma_start3A_42 = tpu.memref_slice %arg3[%mul3A_2] : memref<2048xi32, #tpu.memory_space<hbm>> -> memref<64xi32, #tpu.memory_space<hbm>>
      tpu.enqueue_dma source(%dma_start3A_42 : memref<64xi32, #tpu.memory_space<hbm>>) target(%dma_start3A_41 : memref<64xi32, #tpu.memory_space<vmem>>) target_semaphore(%run_scoped3A_34 : memref<!tpu.dma_semaphore, #tpu.memory_space<semaphore_mem>>)
      %dma_wait3A_43 = arith.constant 0 : i32
      %dma_wait3A_44 = tpu.memref_slice %arg6[%run_scoped3A, %dma_wait3A_43] : memref<2x64xi32, #tpu.memory_space<vmem>> -> memref<1x64xi32, #tpu.memory_space<vmem>>
      %dma_wait3A_45 = tpu.memref_squeeze %dma_wait3A_44 : memref<1x64xi32, #tpu.memory_space<vmem>> -> memref<64xi32, #tpu.memory_space<vmem>>
      %dma_wait3A_46 = tpu.memref_slice %arg3[%mul3A_2] : memref<2048xi32, #tpu.memory_space<hbm>> -> memref<64xi32, #tpu.memory_space<hbm>>
      %dma_wait3A_47 = arith.constant 0 : i32
      %dma_wait3A_48 = tpu.memref_slice %arg6[%run_scoped3A, %dma_wait3A_47] : memref<2x64xi32, #tpu.memory_space<vmem>> -> memref<1x64xi32, #tpu.memory_space<vmem>>
      %dma_wait3A_49 = tpu.memref_squeeze %dma_wait3A_48 : memref<1x64xi32, #tpu.memory_space<vmem>> -> memref<64xi32, #tpu.memory_space<vmem>>
      %dma_wait3A_50 = tpu.memref_slice %arg3[%mul3A_2] : memref<2048xi32, #tpu.memory_space<hbm>> -> memref<64xi32, #tpu.memory_space<hbm>>
      tpu.wait_dma2 semaphore(%run_scoped3A_34 : memref<!tpu.dma_semaphore, #tpu.memory_space<semaphore_mem>>) src(%dma_wait3A_50 : memref<64xi32, #tpu.memory_space<hbm>>) dst(%dma_wait3A_49 : memref<64xi32, #tpu.memory_space<vmem>>)
      tpu.yield
    }) : () -> ()
    %run_scoped3A_3 = arith.constant 1 : i32
    "tpu.region"() ({
      %run_scoped3A_34 = tpu.sem_alloc : memref<!tpu.dma_semaphore, #tpu.memory_space<semaphore_mem>>
      %dma_start3A_35 = arith.constant 0 : i32
      %dma_start3A_36 = tpu.memref_slice %arg6[%run_scoped3A_3, %dma_start3A_35] : memref<2x64xi32, #tpu.memory_space<vmem>> -> memref<1x64xi32, #tpu.memory_space<vmem>>
      %dma_start3A_37 = tpu.memref_squeeze %dma_start3A_36 : memref<1x64xi32, #tpu.memory_space<vmem>> -> memref<64xi32, #tpu.memory_space<vmem>>
      %dma_start3A_38 = tpu.memref_slice %arg4[%mul3A_2] : memref<2048xi32, #tpu.memory_space<hbm>> -> memref<64xi32, #tpu.memory_space<hbm>>
      %dma_start3A_39 = arith.constant 0 : i32
      %dma_start3A_40 = tpu.memref_slice %arg6[%run_scoped3A_3, %dma_start3A_39] : memref<2x64xi32, #tpu.memory_space<vmem>> -> memref<1x64xi32, #tpu.memory_space<vmem>>
      %dma_start3A_41 = tpu.memref_squeeze %dma_start3A_40 : memref<1x64xi32, #tpu.memory_space<vmem>> -> memref<64xi32, #tpu.memory_space<vmem>>
      %dma_start3A_42 = tpu.memref_slice %arg4[%mul3A_2] : memref<2048xi32, #tpu.memory_space<hbm>> -> memref<64xi32, #tpu.memory_space<hbm>>
      tpu.enqueue_dma source(%dma_start3A_42 : memref<64xi32, #tpu.memory_space<hbm>>) target(%dma_start3A_41 : memref<64xi32, #tpu.memory_space<vmem>>) target_semaphore(%run_scoped3A_34 : memref<!tpu.dma_semaphore, #tpu.memory_space<semaphore_mem>>)
      %dma_wait3A_43 = arith.constant 0 : i32
      %dma_wait3A_44 = tpu.memref_slice %arg6[%run_scoped3A_3, %dma_wait3A_43] : memref<2x64xi32, #tpu.memory_space<vmem>> -> memref<1x64xi32, #tpu.memory_space<vmem>>
      %dma_wait3A_45 = tpu.memref_squeeze %dma_wait3A_44 : memref<1x64xi32, #tpu.memory_space<vmem>> -> memref<64xi32, #tpu.memory_space<vmem>>
      %dma_wait3A_46 = tpu.memref_slice %arg4[%mul3A_2] : memref<2048xi32, #tpu.memory_space<hbm>> -> memref<64xi32, #tpu.memory_space<hbm>>
      %dma_wait3A_47 = arith.constant 0 : i32
      %dma_wait3A_48 = tpu.memref_slice %arg6[%run_scoped3A_3, %dma_wait3A_47] : memref<2x64xi32, #tpu.memory_space<vmem>> -> memref<1x64xi32, #tpu.memory_space<vmem>>
      %dma_wait3A_49 = tpu.memref_squeeze %dma_wait3A_48 : memref<1x64xi32, #tpu.memory_space<vmem>> -> memref<64xi32, #tpu.memory_space<vmem>>
      %dma_wait3A_50 = tpu.memref_slice %arg4[%mul3A_2] : memref<2048xi32, #tpu.memory_space<hbm>> -> memref<64xi32, #tpu.memory_space<hbm>>
      tpu.wait_dma2 semaphore(%run_scoped3A_34 : memref<!tpu.dma_semaphore, #tpu.memory_space<semaphore_mem>>) src(%dma_wait3A_50 : memref<64xi32, #tpu.memory_space<hbm>>) dst(%dma_wait3A_49 : memref<64xi32, #tpu.memory_space<vmem>>)
      tpu.yield
    }) : () -> ()
    "tpu.region"() ({
      %run_scoped3A_34 = tpu.sem_alloc : memref<!tpu.dma_semaphore, #tpu.memory_space<semaphore_mem>>
      %dma_start3A_35 = arith.constant 0 : i32
      %dma_start3A_36 = arith.constant 0 : i32
      %dma_start3A_37 = tpu.memref_slice %arg2[%mul3A_2, %dma_start3A_35, %dma_start3A_36] : memref<2048x8x128xf32, #tpu.memory_space<hbm>> -> memref<64x8x128xf32, #tpu.memory_space<hbm>>
      %dma_start3A_38 = arith.constant 0 : i32
      %dma_start3A_39 = arith.constant 0 : i32
      %dma_start3A_40 = tpu.memref_slice %arg2[%mul3A_2, %dma_start3A_38, %dma_start3A_39] : memref<2048x8x128xf32, #tpu.memory_space<hbm>> -> memref<64x8x128xf32, #tpu.memory_space<hbm>>
      tpu.enqueue_dma source(%dma_start3A_40 : memref<64x8x128xf32, #tpu.memory_space<hbm>>) target(%arg7 : memref<64x8x128xf32, #tpu.memory_space<vmem>>) target_semaphore(%run_scoped3A_34 : memref<!tpu.dma_semaphore, #tpu.memory_space<semaphore_mem>>)
      %dma_wait3A_41 = arith.constant 0 : i32
      %dma_wait3A_42 = arith.constant 0 : i32
      %dma_wait3A_43 = tpu.memref_slice %arg2[%mul3A_2, %dma_wait3A_41, %dma_wait3A_42] : memref<2048x8x128xf32, #tpu.memory_space<hbm>> -> memref<64x8x128xf32, #tpu.memory_space<hbm>>
      %dma_wait3A_44 = arith.constant 0 : i32
      %dma_wait3A_45 = arith.constant 0 : i32
      %dma_wait3A_46 = tpu.memref_slice %arg2[%mul3A_2, %dma_wait3A_44, %dma_wait3A_45] : memref<2048x8x128xf32, #tpu.memory_space<hbm>> -> memref<64x8x128xf32, #tpu.memory_space<hbm>>
      tpu.wait_dma2 semaphore(%run_scoped3A_34 : memref<!tpu.dma_semaphore, #tpu.memory_space<semaphore_mem>>) src(%dma_wait3A_46 : memref<64x8x128xf32, #tpu.memory_space<hbm>>) dst(%arg7 : memref<64x8x128xf32, #tpu.memory_space<vmem>>)
      tpu.yield
    }) : () -> ()
    %dma_start3A = arith.constant 0 : i32
    %dma_start3A_4 = arith.constant 0 : i32
    %dma_start3A_5 = tpu.memref_slice %arg6[%dma_start3A, %dma_start3A_4] : memref<2x64xi32, #tpu.memory_space<vmem>> -> memref<1x64xi32, #tpu.memory_space<vmem>>
    %dma_start3A_6 = tpu.memref_squeeze %dma_start3A_5 : memref<1x64xi32, #tpu.memory_space<vmem>> -> memref<64xi32, #tpu.memory_space<vmem>>
    %dma_start3A_7 = arith.constant 0 : i32
    %dma_start3A_8 = arith.constant 0 : i32
    %dma_start3A_9 = arith.constant 0 : i32
    %dma_start3A_10 = tpu.memref_slice %arg5[%dma_start3A_7, %dma_start3A_8, %dma_start3A_9] : memref<6144x8x128xf32, #tpu.memory_space<hbm>> -> memref<6144x8x128xf32, #tpu.memory_space<hbm>>
    tpu.enqueue_indirect_dma source(%arg7 : memref<64x8x128xf32, #tpu.memory_space<vmem>>) target(%dma_start3A_10 : memref<6144x8x128xf32, #tpu.memory_space<hbm>>) offsets(%dma_start3A_6 : memref<64xi32, #tpu.memory_space<vmem>>) semaphore(%arg8 : memref<!tpu.dma_semaphore, #tpu.memory_space<semaphore_mem>>)
    %dma_wait3A = arith.constant 0 : i32
    %dma_wait3A_11 = arith.constant 0 : i32
    %dma_wait3A_12 = tpu.memref_slice %arg6[%dma_wait3A, %dma_wait3A_11] : memref<2x64xi32, #tpu.memory_space<vmem>> -> memref<1x64xi32, #tpu.memory_space<vmem>>
    %dma_wait3A_13 = tpu.memref_squeeze %dma_wait3A_12 : memref<1x64xi32, #tpu.memory_space<vmem>> -> memref<64xi32, #tpu.memory_space<vmem>>
    %dma_wait3A_14 = arith.constant 0 : i32
    %dma_wait3A_15 = arith.constant 0 : i32
    %dma_wait3A_16 = arith.constant 0 : i32
    %dma_wait3A_17 = tpu.memref_slice %arg5[%dma_wait3A_14, %dma_wait3A_15, %dma_wait3A_16] : memref<6144x8x128xf32, #tpu.memory_space<hbm>> -> memref<6144x8x128xf32, #tpu.memory_space<hbm>>
    tpu.wait_indirect_dma semaphore(%arg8 : memref<!tpu.dma_semaphore, #tpu.memory_space<semaphore_mem>>) src(%arg7 : memref<64x8x128xf32, #tpu.memory_space<vmem>>) dst(%dma_wait3A_17 : memref<6144x8x128xf32, #tpu.memory_space<hbm>>)
    %dma_start3A_18 = arith.constant 1 : i32
    %dma_start3A_19 = arith.constant 0 : i32
    %dma_start3A_20 = tpu.memref_slice %arg6[%dma_start3A_18, %dma_start3A_19] : memref<2x64xi32, #tpu.memory_space<vmem>> -> memref<1x64xi32, #tpu.memory_space<vmem>>
    %dma_start3A_21 = tpu.memref_squeeze %dma_start3A_20 : memref<1x64xi32, #tpu.memory_space<vmem>> -> memref<64xi32, #tpu.memory_space<vmem>>
    %dma_start3A_22 = arith.constant 0 : i32
    %dma_start3A_23 = arith.constant 0 : i32
    %dma_start3A_24 = arith.constant 0 : i32
    %dma_start3A_25 = tpu.memref_slice %arg5[%dma_start3A_22, %dma_start3A_23, %dma_start3A_24] : memref<6144x8x128xf32, #tpu.memory_space<hbm>> -> memref<6144x8x128xf32, #tpu.memory_space<hbm>>
    tpu.enqueue_indirect_dma source(%arg7 : memref<64x8x128xf32, #tpu.memory_space<vmem>>) target(%dma_start3A_25 : memref<6144x8x128xf32, #tpu.memory_space<hbm>>) offsets(%dma_start3A_21 : memref<64xi32, #tpu.memory_space<vmem>>) semaphore(%arg8 : memref<!tpu.dma_semaphore, #tpu.memory_space<semaphore_mem>>)
    %dma_wait3A_26 = arith.constant 1 : i32
    %dma_wait3A_27 = arith.constant 0 : i32
    %dma_wait3A_28 = tpu.memref_slice %arg6[%dma_wait3A_26, %dma_wait3A_27] : memref<2x64xi32, #tpu.memory_space<vmem>> -> memref<1x64xi32, #tpu.memory_space<vmem>>
    %dma_wait3A_29 = tpu.memref_squeeze %dma_wait3A_28 : memref<1x64xi32, #tpu.memory_space<vmem>> -> memref<64xi32, #tpu.memory_space<vmem>>
    %dma_wait3A_30 = arith.constant 0 : i32
    %dma_wait3A_31 = arith.constant 0 : i32
    %dma_wait3A_32 = arith.constant 0 : i32
    %dma_wait3A_33 = tpu.memref_slice %arg5[%dma_wait3A_30, %dma_wait3A_31, %dma_wait3A_32] : memref<6144x8x128xf32, #tpu.memory_space<hbm>> -> memref<6144x8x128xf32, #tpu.memory_space<hbm>>
    tpu.wait_indirect_dma semaphore(%arg8 : memref<!tpu.dma_semaphore, #tpu.memory_space<semaphore_mem>>) src(%arg7 : memref<64x8x128xf32, #tpu.memory_space<vmem>>) dst(%dma_wait3A_33 : memref<6144x8x128xf32, #tpu.memory_space<hbm>>)
    return
  }
}

module attributes {stable_mosaic.version = 14 : i64} {
  func.func @_router_kernel(%arg0: memref<2048x1024xf32, #tpu.memory_space<vmem>>, %arg1: memref<1024x8xf32, #tpu.memory_space<vmem>>, %arg2: memref<2048x2xi32, #tpu.memory_space<vmem>>, %arg3: memref<2048x2xf32, #tpu.memory_space<vmem>>, %arg4: memref<1x32xi32, #tpu.memory_space<vmem>>) attributes {dimension_semantics = [], scalar_prefetch = 0 : i64, scratch_operands = 0 : i64, tpu.core_type = #tpu.core_type<tc>} {
    %get3A = arith.constant 0 : index
    %get3A_0 = arith.constant 0 : index
    %get3A_1 = vector.load %arg0[%get3A, %get3A_0] : memref<2048x1024xf32, #tpu.memory_space<vmem>>, vector<2048x1024xf32>
    %get3A_2 = arith.constant 0 : index
    %get3A_3 = arith.constant 0 : index
    %get3A_4 = vector.load %arg1[%get3A_2, %get3A_3] : memref<1024x8xf32, #tpu.memory_space<vmem>>, vector<1024x8xf32>
    %dot_general3A = arith.constant dense<0.000000e+00> : vector<2048x8xf32>
    %dot_general3A_5 = tpu.matmul %get3A_1, %get3A_4, %dot_general3A {dimension_numbers = #tpu.dot_dimension_numbers<[1], [0], [0], [1], [0, 0, 1, 1], [], []>, transpose_lhs_hint = false} : vector<2048x1024xf32>, vector<1024x8xf32>, vector<2048x8xf32> -> vector<2048x8xf32>
    %reduce_max3A = arith.constant dense<0xFF800000> : vector<2048xf32>
    %reduce_max3A_6 = vector.multi_reduction <maximumf>, %dot_general3A_5, %reduce_max3A [1] : vector<2048x8xf32> to vector<2048xf32>
    %broadcast_in_dim3A = vector.shape_cast %reduce_max3A_6 : vector<2048xf32> to vector<2048x1xf32>
    %sub3A = vector.broadcast %broadcast_in_dim3A : vector<2048x1xf32> to vector<2048x8xf32>
    %sub3A_7 = arith.subf %dot_general3A_5, %sub3A : vector<2048x8xf32>
    %exp3A = math.exp %sub3A_7 : vector<2048x8xf32>
    %reduce_sum3A = arith.constant dense<0.000000e+00> : vector<2048xf32>
    %reduce_sum3A_8 = vector.multi_reduction <add>, %exp3A, %reduce_sum3A [1] : vector<2048x8xf32> to vector<2048xf32>
    %broadcast_in_dim3A_9 = vector.shape_cast %reduce_sum3A_8 : vector<2048xf32> to vector<2048x1xf32>
    %div3A = vector.broadcast %broadcast_in_dim3A_9 : vector<2048x1xf32> to vector<2048x8xf32>
    %div3A_10 = arith.divf %exp3A, %div3A : vector<2048x8xf32>
    %iota3A = tpu.iota {dimensions = array<i32: 1>} : vector<2048x8xi32>
    %reduce_max3A_11 = arith.constant dense<0xFF800000> : vector<2048xf32>
    %reduce_max3A_12 = vector.multi_reduction <maximumf>, %div3A_10, %reduce_max3A_11 [1] : vector<2048x8xf32> to vector<2048xf32>
    %broadcast_in_dim3A_13 = vector.shape_cast %reduce_max3A_12 : vector<2048xf32> to vector<2048x1xf32>
    %eq3A = vector.broadcast %broadcast_in_dim3A_13 : vector<2048x1xf32> to vector<2048x8xf32>
    %eq3A_14 = arith.cmpf oeq, %div3A_10, %eq3A : vector<2048x8xf32>
    %jit3A = arith.constant 8 : i32
    %broadcast_in_dim3A_15 = vector.broadcast %jit3A : i32 to vector<2048x8xi32>
    %select_n3A = arith.select %eq3A_14, %iota3A, %broadcast_in_dim3A_15 : vector<2048x8xi1>, vector<2048x8xi32>
    %reduce_min3A = arith.constant dense<2147483647> : vector<2048xi32>
    %reduce_min3A_16 = vector.multi_reduction <minsi>, %select_n3A, %reduce_min3A [1] : vector<2048x8xi32> to vector<2048xi32>
    %broadcast_in_dim3A_17 = vector.shape_cast %reduce_min3A_16 : vector<2048xi32> to vector<2048x1xi32>
    %eq3A_18 = vector.broadcast %broadcast_in_dim3A_17 : vector<2048x1xi32> to vector<2048x8xi32>
    %eq3A_19 = arith.cmpi eq, %iota3A, %eq3A_18 : vector<2048x8xi32>
    %jit3A_20 = arith.constant 0xFF800000 : f32
    %broadcast_in_dim3A_21 = vector.broadcast %jit3A_20 : f32 to vector<2048x8xf32>
    %select_n3A_22 = arith.select %eq3A_19, %broadcast_in_dim3A_21, %div3A_10 : vector<2048x8xi1>, vector<2048x8xf32>
    %reduce_max3A_23 = arith.constant dense<0xFF800000> : vector<2048xf32>
    %reduce_max3A_24 = vector.multi_reduction <maximumf>, %select_n3A_22, %reduce_max3A_23 [1] : vector<2048x8xf32> to vector<2048xf32>
    %broadcast_in_dim3A_25 = vector.shape_cast %reduce_max3A_24 : vector<2048xf32> to vector<2048x1xf32>
    %eq3A_26 = vector.broadcast %broadcast_in_dim3A_25 : vector<2048x1xf32> to vector<2048x8xf32>
    %eq3A_27 = arith.cmpf oeq, %select_n3A_22, %eq3A_26 : vector<2048x8xf32>
    %jit3A_28 = arith.constant 8 : i32
    %broadcast_in_dim3A_29 = vector.broadcast %jit3A_28 : i32 to vector<2048x8xi32>
    %select_n3A_30 = arith.select %eq3A_27, %iota3A, %broadcast_in_dim3A_29 : vector<2048x8xi1>, vector<2048x8xi32>
    %reduce_min3A_31 = arith.constant dense<2147483647> : vector<2048xi32>
    %reduce_min3A_32 = vector.multi_reduction <minsi>, %select_n3A_30, %reduce_min3A_31 [1] : vector<2048x8xi32> to vector<2048xi32>
    %broadcast_in_dim3A_33 = vector.shape_cast %reduce_min3A_32 : vector<2048xi32> to vector<2048x1xi32>
    %eq3A_34 = vector.broadcast %broadcast_in_dim3A_33 : vector<2048x1xi32> to vector<2048x8xi32>
    %eq3A_35 = arith.cmpi eq, %iota3A, %eq3A_34 : vector<2048x8xi32>
    %add3A = arith.addf %broadcast_in_dim3A_13, %broadcast_in_dim3A_25 : vector<2048x1xf32>
    %div3A_36 = arith.divf %broadcast_in_dim3A_13, %add3A : vector<2048x1xf32>
    %div3A_37 = arith.divf %broadcast_in_dim3A_25, %add3A : vector<2048x1xf32>
    %concatenate3A = tpu.concatenate %div3A_36, %div3A_37 in 1 : vector<2048x1xf32>, vector<2048x1xf32> -> vector<2048x2xf32>
    %swap3A = arith.constant 0 : index
    %swap3A_38 = arith.constant 0 : index
    %swap3A_39 = vector.load %arg3[%swap3A, %swap3A_38] : memref<2048x2xf32, #tpu.memory_space<vmem>>, vector<2048x2xf32>
    tpu.vector_store %arg3[%swap3A, %swap3A_38], %concatenate3A {strides = array<i32>} : memref<2048x2xf32, #tpu.memory_space<vmem>>, vector<2048x2xf32>,
    %or3A = arith.ori %eq3A_19, %eq3A_35 : vector<2048x8xi1>
    %convert_element_type3A = arith.extui %or3A : vector<2048x8xi1> to vector<2048x8xi32>
    %convert_element_type3A_40 = arith.sitofp %convert_element_type3A : vector<2048x8xi32> to vector<2048x8xf32>
    %iota3A_41 = tpu.iota {dimensions = array<i32: 0>} : vector<256x256xi32>
    %iota3A_42 = tpu.iota {dimensions = array<i32: 1>} : vector<256x256xi32>
    %lt3A = arith.cmpi slt, %iota3A_42, %iota3A_41 : vector<256x256xi32>
    %convert_element_type3A_43 = arith.extui %lt3A : vector<256x256xi1> to vector<256x256xi32>
    %convert_element_type3A_44 = arith.sitofp %convert_element_type3A_43 : vector<256x256xi32> to vector<256x256xf32>
    %convert_element_type3A_45 = arith.truncf %convert_element_type3A_44 : vector<256x256xf32> to vector<256x256xbf16>
    %broadcast_in_dim3A_46 = arith.constant 0.000000e+00 : f32
    %broadcast_in_dim3A_47 = vector.broadcast %broadcast_in_dim3A_46 : f32 to vector<1x8xf32>
    %slice3A = vector.extract_strided_slice %convert_element_type3A_40 {offsets = [0, 0], sizes = [256, 8], strides = [1, 1]} : vector<2048x8xf32> to vector<256x8xf32>
    %convert_element_type3A_48 = arith.truncf %slice3A : vector<256x8xf32> to vector<256x8xbf16>
    %dot_general3A_49 = arith.constant dense<0.000000e+00> : vector<256x8xf32>
    %dot_general3A_50 = tpu.matmul %convert_element_type3A_45, %convert_element_type3A_48, %dot_general3A_49 {dimension_numbers = #tpu.dot_dimension_numbers<[1], [0], [0], [1], [0, 0, 1, 1], [], []>, transpose_lhs_hint = false} : vector<256x256xbf16>, vector<256x8xbf16>, vector<256x8xf32> -> vector<256x8xf32>
    %add3A_51 = vector.broadcast %broadcast_in_dim3A_47 : vector<1x8xf32> to vector<256x8xf32>
    %add3A_52 = arith.addf %dot_general3A_50, %add3A_51 : vector<256x8xf32>
    %reduce_sum3A_53 = arith.constant dense<0.000000e+00> : vector<8xf32>
    %reduce_sum3A_54 = vector.multi_reduction <add>, %slice3A, %reduce_sum3A_53 [0] : vector<256x8xf32> to vector<8xf32>
    %broadcast_in_dim3A_55 = vector.shape_cast %reduce_sum3A_54 : vector<8xf32> to vector<1x8xf32>
    %add3A_56 = arith.addf %broadcast_in_dim3A_47, %broadcast_in_dim3A_55 : vector<1x8xf32>
    %slice3A_57 = vector.extract_strided_slice %convert_element_type3A_40 {offsets = [256, 0], sizes = [256, 8], strides = [1, 1]} : vector<2048x8xf32> to vector<256x8xf32>
    %convert_element_type3A_58 = arith.truncf %slice3A_57 : vector<256x8xf32> to vector<256x8xbf16>
    %dot_general3A_59 = arith.constant dense<0.000000e+00> : vector<256x8xf32>
    %dot_general3A_60 = tpu.matmul %convert_element_type3A_45, %convert_element_type3A_58, %dot_general3A_59 {dimension_numbers = #tpu.dot_dimension_numbers<[1], [0], [0], [1], [0, 0, 1, 1], [], []>, transpose_lhs_hint = false} : vector<256x256xbf16>, vector<256x8xbf16>, vector<256x8xf32> -> vector<256x8xf32>
    %add3A_61 = vector.broadcast %add3A_56 : vector<1x8xf32> to vector<256x8xf32>
    %add3A_62 = arith.addf %dot_general3A_60, %add3A_61 : vector<256x8xf32>
    %reduce_sum3A_63 = arith.constant dense<0.000000e+00> : vector<8xf32>
    %reduce_sum3A_64 = vector.multi_reduction <add>, %slice3A_57, %reduce_sum3A_63 [0] : vector<256x8xf32> to vector<8xf32>
    %broadcast_in_dim3A_65 = vector.shape_cast %reduce_sum3A_64 : vector<8xf32> to vector<1x8xf32>
    %add3A_66 = arith.addf %add3A_56, %broadcast_in_dim3A_65 : vector<1x8xf32>
    %slice3A_67 = vector.extract_strided_slice %convert_element_type3A_40 {offsets = [512, 0], sizes = [256, 8], strides = [1, 1]} : vector<2048x8xf32> to vector<256x8xf32>
    %convert_element_type3A_68 = arith.truncf %slice3A_67 : vector<256x8xf32> to vector<256x8xbf16>
    %dot_general3A_69 = arith.constant dense<0.000000e+00> : vector<256x8xf32>
    %dot_general3A_70 = tpu.matmul %convert_element_type3A_45, %convert_element_type3A_68, %dot_general3A_69 {dimension_numbers = #tpu.dot_dimension_numbers<[1], [0], [0], [1], [0, 0, 1, 1], [], []>, transpose_lhs_hint = false} : vector<256x256xbf16>, vector<256x8xbf16>, vector<256x8xf32> -> vector<256x8xf32>
    %add3A_71 = vector.broadcast %add3A_66 : vector<1x8xf32> to vector<256x8xf32>
    %add3A_72 = arith.addf %dot_general3A_70, %add3A_71 : vector<256x8xf32>
    %reduce_sum3A_73 = arith.constant dense<0.000000e+00> : vector<8xf32>
    %reduce_sum3A_74 = vector.multi_reduction <add>, %slice3A_67, %reduce_sum3A_73 [0] : vector<256x8xf32> to vector<8xf32>
    %broadcast_in_dim3A_75 = vector.shape_cast %reduce_sum3A_74 : vector<8xf32> to vector<1x8xf32>
    %add3A_76 = arith.addf %add3A_66, %broadcast_in_dim3A_75 : vector<1x8xf32>
    %slice3A_77 = vector.extract_strided_slice %convert_element_type3A_40 {offsets = [768, 0], sizes = [256, 8], strides = [1, 1]} : vector<2048x8xf32> to vector<256x8xf32>
    %convert_element_type3A_78 = arith.truncf %slice3A_77 : vector<256x8xf32> to vector<256x8xbf16>
    %dot_general3A_79 = arith.constant dense<0.000000e+00> : vector<256x8xf32>
    %dot_general3A_80 = tpu.matmul %convert_element_type3A_45, %convert_element_type3A_78, %dot_general3A_79 {dimension_numbers = #tpu.dot_dimension_numbers<[1], [0], [0], [1], [0, 0, 1, 1], [], []>, transpose_lhs_hint = false} : vector<256x256xbf16>, vector<256x8xbf16>, vector<256x8xf32> -> vector<256x8xf32>
    %add3A_81 = vector.broadcast %add3A_76 : vector<1x8xf32> to vector<256x8xf32>
    %add3A_82 = arith.addf %dot_general3A_80, %add3A_81 : vector<256x8xf32>
    %reduce_sum3A_83 = arith.constant dense<0.000000e+00> : vector<8xf32>
    %reduce_sum3A_84 = vector.multi_reduction <add>, %slice3A_77, %reduce_sum3A_83 [0] : vector<256x8xf32> to vector<8xf32>
    %broadcast_in_dim3A_85 = vector.shape_cast %reduce_sum3A_84 : vector<8xf32> to vector<1x8xf32>
    %add3A_86 = arith.addf %add3A_76, %broadcast_in_dim3A_85 : vector<1x8xf32>
    %slice3A_87 = vector.extract_strided_slice %convert_element_type3A_40 {offsets = [1024, 0], sizes = [256, 8], strides = [1, 1]} : vector<2048x8xf32> to vector<256x8xf32>
    %convert_element_type3A_88 = arith.truncf %slice3A_87 : vector<256x8xf32> to vector<256x8xbf16>
    %dot_general3A_89 = arith.constant dense<0.000000e+00> : vector<256x8xf32>
    %dot_general3A_90 = tpu.matmul %convert_element_type3A_45, %convert_element_type3A_88, %dot_general3A_89 {dimension_numbers = #tpu.dot_dimension_numbers<[1], [0], [0], [1], [0, 0, 1, 1], [], []>, transpose_lhs_hint = false} : vector<256x256xbf16>, vector<256x8xbf16>, vector<256x8xf32> -> vector<256x8xf32>
    %add3A_91 = vector.broadcast %add3A_86 : vector<1x8xf32> to vector<256x8xf32>
    %add3A_92 = arith.addf %dot_general3A_90, %add3A_91 : vector<256x8xf32>
    %reduce_sum3A_93 = arith.constant dense<0.000000e+00> : vector<8xf32>
    %reduce_sum3A_94 = vector.multi_reduction <add>, %slice3A_87, %reduce_sum3A_93 [0] : vector<256x8xf32> to vector<8xf32>
    %broadcast_in_dim3A_95 = vector.shape_cast %reduce_sum3A_94 : vector<8xf32> to vector<1x8xf32>
    %add3A_96 = arith.addf %add3A_86, %broadcast_in_dim3A_95 : vector<1x8xf32>
    %slice3A_97 = vector.extract_strided_slice %convert_element_type3A_40 {offsets = [1280, 0], sizes = [256, 8], strides = [1, 1]} : vector<2048x8xf32> to vector<256x8xf32>
    %convert_element_type3A_98 = arith.truncf %slice3A_97 : vector<256x8xf32> to vector<256x8xbf16>
    %dot_general3A_99 = arith.constant dense<0.000000e+00> : vector<256x8xf32>
    %dot_general3A_100 = tpu.matmul %convert_element_type3A_45, %convert_element_type3A_98, %dot_general3A_99 {dimension_numbers = #tpu.dot_dimension_numbers<[1], [0], [0], [1], [0, 0, 1, 1], [], []>, transpose_lhs_hint = false} : vector<256x256xbf16>, vector<256x8xbf16>, vector<256x8xf32> -> vector<256x8xf32>
    %add3A_101 = vector.broadcast %add3A_96 : vector<1x8xf32> to vector<256x8xf32>
    %add3A_102 = arith.addf %dot_general3A_100, %add3A_101 : vector<256x8xf32>
    %reduce_sum3A_103 = arith.constant dense<0.000000e+00> : vector<8xf32>
    %reduce_sum3A_104 = vector.multi_reduction <add>, %slice3A_97, %reduce_sum3A_103 [0] : vector<256x8xf32> to vector<8xf32>
    %broadcast_in_dim3A_105 = vector.shape_cast %reduce_sum3A_104 : vector<8xf32> to vector<1x8xf32>
    %add3A_106 = arith.addf %add3A_96, %broadcast_in_dim3A_105 : vector<1x8xf32>
    %slice3A_107 = vector.extract_strided_slice %convert_element_type3A_40 {offsets = [1536, 0], sizes = [256, 8], strides = [1, 1]} : vector<2048x8xf32> to vector<256x8xf32>
    %convert_element_type3A_108 = arith.truncf %slice3A_107 : vector<256x8xf32> to vector<256x8xbf16>
    %dot_general3A_109 = arith.constant dense<0.000000e+00> : vector<256x8xf32>
    %dot_general3A_110 = tpu.matmul %convert_element_type3A_45, %convert_element_type3A_108, %dot_general3A_109 {dimension_numbers = #tpu.dot_dimension_numbers<[1], [0], [0], [1], [0, 0, 1, 1], [], []>, transpose_lhs_hint = false} : vector<256x256xbf16>, vector<256x8xbf16>, vector<256x8xf32> -> vector<256x8xf32>
    %add3A_111 = vector.broadcast %add3A_106 : vector<1x8xf32> to vector<256x8xf32>
    %add3A_112 = arith.addf %dot_general3A_110, %add3A_111 : vector<256x8xf32>
    %reduce_sum3A_113 = arith.constant dense<0.000000e+00> : vector<8xf32>
    %reduce_sum3A_114 = vector.multi_reduction <add>, %slice3A_107, %reduce_sum3A_113 [0] : vector<256x8xf32> to vector<8xf32>
    %broadcast_in_dim3A_115 = vector.shape_cast %reduce_sum3A_114 : vector<8xf32> to vector<1x8xf32>
    %add3A_116 = arith.addf %add3A_106, %broadcast_in_dim3A_115 : vector<1x8xf32>
    %slice3A_117 = vector.extract_strided_slice %convert_element_type3A_40 {offsets = [1792, 0], sizes = [256, 8], strides = [1, 1]} : vector<2048x8xf32> to vector<256x8xf32>
    %convert_element_type3A_118 = arith.truncf %slice3A_117 : vector<256x8xf32> to vector<256x8xbf16>
    %dot_general3A_119 = arith.constant dense<0.000000e+00> : vector<256x8xf32>
    %dot_general3A_120 = tpu.matmul %convert_element_type3A_45, %convert_element_type3A_118, %dot_general3A_119 {dimension_numbers = #tpu.dot_dimension_numbers<[1], [0], [0], [1], [0, 0, 1, 1], [], []>, transpose_lhs_hint = false} : vector<256x256xbf16>, vector<256x8xbf16>, vector<256x8xf32> -> vector<256x8xf32>
    %add3A_121 = vector.broadcast %add3A_116 : vector<1x8xf32> to vector<256x8xf32>
    %add3A_122 = arith.addf %dot_general3A_120, %add3A_121 : vector<256x8xf32>
    %reduce_sum3A_123 = arith.constant dense<0.000000e+00> : vector<8xf32>
    %reduce_sum3A_124 = vector.multi_reduction <add>, %slice3A_117, %reduce_sum3A_123 [0] : vector<256x8xf32> to vector<8xf32>
    %broadcast_in_dim3A_125 = vector.shape_cast %reduce_sum3A_124 : vector<8xf32> to vector<1x8xf32>
    %add3A_126 = arith.addf %add3A_116, %broadcast_in_dim3A_125 : vector<1x8xf32>
    %concatenate3A_127 = tpu.concatenate %add3A_52, %add3A_62, %add3A_72, %add3A_82, %add3A_92, %add3A_102, %add3A_112, %add3A_122 in 0 : vector<256x8xf32>, vector<256x8xf32>, vector<256x8xf32>, vector<256x8xf32>, vector<256x8xf32>, vector<256x8xf32>, vector<256x8xf32>, vector<256x8xf32> -> vector<2048x8xf32>
    %add3A_128 = arith.constant 2.550000e+02 : f32
    %add3A_129 = vector.broadcast %add3A_128 : f32 to vector<1x8xf32>
    %add3A_130 = arith.addf %add3A_126, %add3A_129 : vector<1x8xf32>
    %mul3A = arith.constant 3.906250e-03 : f32
    %mul3A_131 = vector.broadcast %mul3A : f32 to vector<1x8xf32>
    %mul3A_132 = arith.mulf %add3A_130, %mul3A_131 : vector<1x8xf32>
    %floor3A = math.floor %mul3A_132 : vector<1x8xf32>
    %mul3A_133 = arith.constant 2.560000e+02 : f32
    %mul3A_134 = vector.broadcast %mul3A_133 : f32 to vector<1x8xf32>
    %mul3A_135 = arith.mulf %floor3A, %mul3A_134 : vector<1x8xf32>
    %iota3A_136 = tpu.iota {dimensions = array<i32: 0>} : vector<8x8xi32>
    %iota3A_137 = tpu.iota {dimensions = array<i32: 1>} : vector<8x8xi32>
    %lt3A_138 = arith.cmpi slt, %iota3A_136, %iota3A_137 : vector<8x8xi32>
    %convert_element_type3A_139 = arith.extui %lt3A_138 : vector<8x8xi1> to vector<8x8xi32>
    %convert_element_type3A_140 = arith.sitofp %convert_element_type3A_139 : vector<8x8xi32> to vector<8x8xf32>
    %convert_element_type3A_141 = arith.truncf %convert_element_type3A_140 : vector<8x8xf32> to vector<8x8xbf16>
    %convert_element_type3A_142 = arith.truncf %mul3A_135 : vector<1x8xf32> to vector<1x8xbf16>
    %dot_general3A_143 = arith.constant dense<0.000000e+00> : vector<1x8xf32>
    %dot_general3A_144 = tpu.matmul %convert_element_type3A_142, %convert_element_type3A_141, %dot_general3A_143 {dimension_numbers = #tpu.dot_dimension_numbers<[1], [0], [0], [1], [0, 0, 1, 1], [], []>, transpose_lhs_hint = false} : vector<1x8xbf16>, vector<8x8xbf16>, vector<1x8xf32> -> vector<1x8xf32>
    %add3A_145 = vector.broadcast %dot_general3A_144 : vector<1x8xf32> to vector<2048x8xf32>
    %add3A_146 = arith.addf %add3A_145, %concatenate3A_127 : vector<2048x8xf32>
    %jit3A_147 = arith.constant 0.000000e+00 : f32
    %broadcast_in_dim3A_148 = vector.broadcast %jit3A_147 : f32 to vector<2048x8xf32>
    %select_n3A_149 = arith.select %eq3A_19, %add3A_146, %broadcast_in_dim3A_148 : vector<2048x8xi1>, vector<2048x8xf32>
    %reduce_sum3A_150 = arith.constant dense<0.000000e+00> : vector<2048xf32>
    %reduce_sum3A_151 = vector.multi_reduction <add>, %select_n3A_149, %reduce_sum3A_150 [1] : vector<2048x8xf32> to vector<2048xf32>
    %broadcast_in_dim3A_152 = vector.shape_cast %reduce_sum3A_151 : vector<2048xf32> to vector<2048x1xf32>
    %jit3A_153 = arith.constant 0.000000e+00 : f32
    %broadcast_in_dim3A_154 = vector.broadcast %jit3A_153 : f32 to vector<2048x8xf32>
    %select_n3A_155 = arith.select %eq3A_35, %add3A_146, %broadcast_in_dim3A_154 : vector<2048x8xi1>, vector<2048x8xf32>
    %reduce_sum3A_156 = arith.constant dense<0.000000e+00> : vector<2048xf32>
    %reduce_sum3A_157 = vector.multi_reduction <add>, %select_n3A_155, %reduce_sum3A_156 [1] : vector<2048x8xf32> to vector<2048xf32>
    %broadcast_in_dim3A_158 = vector.shape_cast %reduce_sum3A_157 : vector<2048xf32> to vector<2048x1xf32>
    %concatenate3A_159 = tpu.concatenate %broadcast_in_dim3A_152, %broadcast_in_dim3A_158 in 1 : vector<2048x1xf32>, vector<2048x1xf32> -> vector<2048x2xf32>
    %convert_element_type3A_160 = arith.fptosi %concatenate3A_159 : vector<2048x2xf32> to vector<2048x2xi32>
    %swap3A_161 = arith.constant 0 : index
    %swap3A_162 = arith.constant 0 : index
    %swap3A_163 = vector.load %arg2[%swap3A_161, %swap3A_162] : memref<2048x2xi32, #tpu.memory_space<vmem>>, vector<2048x2xi32>
    tpu.vector_store %arg2[%swap3A_161, %swap3A_162], %convert_element_type3A_160 {strides = array<i32>} : memref<2048x2xi32, #tpu.memory_space<vmem>>, vector<2048x2xi32>,
    %iota3A_164 = tpu.iota {dimensions = array<i32: 1>} : vector<1x8xi32>
    %convert_element_type3A_165 = arith.sitofp %iota3A_164 : vector<1x8xi32> to vector<1x8xf32>
    %le3A = arith.constant 0.000000e+00 : f32
    %le3A_166 = vector.broadcast %le3A : f32 to vector<1x8xf32>
    %le3A_167 = arith.cmpf ole, %dot_general3A_144, %le3A_166 : vector<1x8xf32>
    %add3A_168 = arith.addf %dot_general3A_144, %mul3A_135 : vector<1x8xf32>
    %gt3A = arith.constant 0.000000e+00 : f32
    %gt3A_169 = vector.broadcast %gt3A : f32 to vector<1x8xf32>
    %gt3A_170 = arith.cmpf ogt, %add3A_168, %gt3A_169 : vector<1x8xf32>
    %and3A = arith.andi %le3A_167, %gt3A_170 : vector<1x8xi1>
    %jit3A_171 = arith.constant 0.000000e+00 : f32
    %broadcast_in_dim3A_172 = vector.broadcast %jit3A_171 : f32 to vector<1x8xf32>
    %select_n3A_173 = arith.select %and3A, %convert_element_type3A_165, %broadcast_in_dim3A_172 : vector<1x8xi1>, vector<1x8xf32>
    %reduce_sum3A_174 = arith.constant dense<0.000000e+00> : vector<1xf32>
    %reduce_sum3A_175 = vector.multi_reduction <add>, %select_n3A_173, %reduce_sum3A_174 [1] : vector<1x8xf32> to vector<1xf32>
    %broadcast_in_dim3A_176 = vector.shape_cast %reduce_sum3A_175 : vector<1xf32> to vector<1x1xf32>
    %le3A_177 = arith.constant 2.560000e+02 : f32
    %le3A_178 = vector.broadcast %le3A_177 : f32 to vector<1x8xf32>
    %le3A_179 = arith.cmpf ole, %dot_general3A_144, %le3A_178 : vector<1x8xf32>
    %add3A_180 = arith.addf %dot_general3A_144, %mul3A_135 : vector<1x8xf32>
    %gt3A_181 = arith.constant 2.560000e+02 : f32
    %gt3A_182 = vector.broadcast %gt3A_181 : f32 to vector<1x8xf32>
    %gt3A_183 = arith.cmpf ogt, %add3A_180, %gt3A_182 : vector<1x8xf32>
    %and3A_184 = arith.andi %le3A_179, %gt3A_183 : vector<1x8xi1>
    %jit3A_185 = arith.constant 0.000000e+00 : f32
    %broadcast_in_dim3A_186 = vector.broadcast %jit3A_185 : f32 to vector<1x8xf32>
    %select_n3A_187 = arith.select %and3A_184, %convert_element_type3A_165, %broadcast_in_dim3A_186 : vector<1x8xi1>, vector<1x8xf32>
    %reduce_sum3A_188 = arith.constant dense<0.000000e+00> : vector<1xf32>
    %reduce_sum3A_189 = vector.multi_reduction <add>, %select_n3A_187, %reduce_sum3A_188 [1] : vector<1x8xf32> to vector<1xf32>
    %broadcast_in_dim3A_190 = vector.shape_cast %reduce_sum3A_189 : vector<1xf32> to vector<1x1xf32>
    %le3A_191 = arith.constant 5.120000e+02 : f32
    %le3A_192 = vector.broadcast %le3A_191 : f32 to vector<1x8xf32>
    %le3A_193 = arith.cmpf ole, %dot_general3A_144, %le3A_192 : vector<1x8xf32>
    %add3A_194 = arith.addf %dot_general3A_144, %mul3A_135 : vector<1x8xf32>
    %gt3A_195 = arith.constant 5.120000e+02 : f32
    %gt3A_196 = vector.broadcast %gt3A_195 : f32 to vector<1x8xf32>
    %gt3A_197 = arith.cmpf ogt, %add3A_194, %gt3A_196 : vector<1x8xf32>
    %and3A_198 = arith.andi %le3A_193, %gt3A_197 : vector<1x8xi1>
    %jit3A_199 = arith.constant 0.000000e+00 : f32
    %broadcast_in_dim3A_200 = vector.broadcast %jit3A_199 : f32 to vector<1x8xf32>
    %select_n3A_201 = arith.select %and3A_198, %convert_element_type3A_165, %broadcast_in_dim3A_200 : vector<1x8xi1>, vector<1x8xf32>
    %reduce_sum3A_202 = arith.constant dense<0.000000e+00> : vector<1xf32>
    %reduce_sum3A_203 = vector.multi_reduction <add>, %select_n3A_201, %reduce_sum3A_202 [1] : vector<1x8xf32> to vector<1xf32>
    %broadcast_in_dim3A_204 = vector.shape_cast %reduce_sum3A_203 : vector<1xf32> to vector<1x1xf32>
    %le3A_205 = arith.constant 7.680000e+02 : f32
    %le3A_206 = vector.broadcast %le3A_205 : f32 to vector<1x8xf32>
    %le3A_207 = arith.cmpf ole, %dot_general3A_144, %le3A_206 : vector<1x8xf32>
    %add3A_208 = arith.addf %dot_general3A_144, %mul3A_135 : vector<1x8xf32>
    %gt3A_209 = arith.constant 7.680000e+02 : f32
    %gt3A_210 = vector.broadcast %gt3A_209 : f32 to vector<1x8xf32>
    %gt3A_211 = arith.cmpf ogt, %add3A_208, %gt3A_210 : vector<1x8xf32>
    %and3A_212 = arith.andi %le3A_207, %gt3A_211 : vector<1x8xi1>
    %jit3A_213 = arith.constant 0.000000e+00 : f32
    %broadcast_in_dim3A_214 = vector.broadcast %jit3A_213 : f32 to vector<1x8xf32>
    %select_n3A_215 = arith.select %and3A_212, %convert_element_type3A_165, %broadcast_in_dim3A_214 : vector<1x8xi1>, vector<1x8xf32>
    %reduce_sum3A_216 = arith.constant dense<0.000000e+00> : vector<1xf32>
    %reduce_sum3A_217 = vector.multi_reduction <add>, %select_n3A_215, %reduce_sum3A_216 [1] : vector<1x8xf32> to vector<1xf32>
    %broadcast_in_dim3A_218 = vector.shape_cast %reduce_sum3A_217 : vector<1xf32> to vector<1x1xf32>
    %le3A_219 = arith.constant 1.024000e+03 : f32
    %le3A_220 = vector.broadcast %le3A_219 : f32 to vector<1x8xf32>
    %le3A_221 = arith.cmpf ole, %dot_general3A_144, %le3A_220 : vector<1x8xf32>
    %add3A_222 = arith.addf %dot_general3A_144, %mul3A_135 : vector<1x8xf32>
    %gt3A_223 = arith.constant 1.024000e+03 : f32
    %gt3A_224 = vector.broadcast %gt3A_223 : f32 to vector<1x8xf32>
    %gt3A_225 = arith.cmpf ogt, %add3A_222, %gt3A_224 : vector<1x8xf32>
    %and3A_226 = arith.andi %le3A_221, %gt3A_225 : vector<1x8xi1>
    %jit3A_227 = arith.constant 0.000000e+00 : f32
    %broadcast_in_dim3A_228 = vector.broadcast %jit3A_227 : f32 to vector<1x8xf32>
    %select_n3A_229 = arith.select %and3A_226, %convert_element_type3A_165, %broadcast_in_dim3A_228 : vector<1x8xi1>, vector<1x8xf32>
    %reduce_sum3A_230 = arith.constant dense<0.000000e+00> : vector<1xf32>
    %reduce_sum3A_231 = vector.multi_reduction <add>, %select_n3A_229, %reduce_sum3A_230 [1] : vector<1x8xf32> to vector<1xf32>
    %broadcast_in_dim3A_232 = vector.shape_cast %reduce_sum3A_231 : vector<1xf32> to vector<1x1xf32>
    %le3A_233 = arith.constant 1.280000e+03 : f32
    %le3A_234 = vector.broadcast %le3A_233 : f32 to vector<1x8xf32>
    %le3A_235 = arith.cmpf ole, %dot_general3A_144, %le3A_234 : vector<1x8xf32>
    %add3A_236 = arith.addf %dot_general3A_144, %mul3A_135 : vector<1x8xf32>
    %gt3A_237 = arith.constant 1.280000e+03 : f32
    %gt3A_238 = vector.broadcast %gt3A_237 : f32 to vector<1x8xf32>
    %gt3A_239 = arith.cmpf ogt, %add3A_236, %gt3A_238 : vector<1x8xf32>
    %and3A_240 = arith.andi %le3A_235, %gt3A_239 : vector<1x8xi1>
    %jit3A_241 = arith.constant 0.000000e+00 : f32
    %broadcast_in_dim3A_242 = vector.broadcast %jit3A_241 : f32 to vector<1x8xf32>
    %select_n3A_243 = arith.select %and3A_240, %convert_element_type3A_165, %broadcast_in_dim3A_242 : vector<1x8xi1>, vector<1x8xf32>
    %reduce_sum3A_244 = arith.constant dense<0.000000e+00> : vector<1xf32>
    %reduce_sum3A_245 = vector.multi_reduction <add>, %select_n3A_243, %reduce_sum3A_244 [1] : vector<1x8xf32> to vector<1xf32>
    %broadcast_in_dim3A_246 = vector.shape_cast %reduce_sum3A_245 : vector<1xf32> to vector<1x1xf32>
    %le3A_247 = arith.constant 1.536000e+03 : f32
    %le3A_248 = vector.broadcast %le3A_247 : f32 to vector<1x8xf32>
    %le3A_249 = arith.cmpf ole, %dot_general3A_144, %le3A_248 : vector<1x8xf32>
    %add3A_250 = arith.addf %dot_general3A_144, %mul3A_135 : vector<1x8xf32>
    %gt3A_251 = arith.constant 1.536000e+03 : f32
    %gt3A_252 = vector.broadcast %gt3A_251 : f32 to vector<1x8xf32>
    %gt3A_253 = arith.cmpf ogt, %add3A_250, %gt3A_252 : vector<1x8xf32>
    %and3A_254 = arith.andi %le3A_249, %gt3A_253 : vector<1x8xi1>
    %jit3A_255 = arith.constant 0.000000e+00 : f32
    %broadcast_in_dim3A_256 = vector.broadcast %jit3A_255 : f32 to vector<1x8xf32>
    %select_n3A_257 = arith.select %and3A_254, %convert_element_type3A_165, %broadcast_in_dim3A_256 : vector<1x8xi1>, vector<1x8xf32>
    %reduce_sum3A_258 = arith.constant dense<0.000000e+00> : vector<1xf32>
    %reduce_sum3A_259 = vector.multi_reduction <add>, %select_n3A_257, %reduce_sum3A_258 [1] : vector<1x8xf32> to vector<1xf32>
    %broadcast_in_dim3A_260 = vector.shape_cast %reduce_sum3A_259 : vector<1xf32> to vector<1x1xf32>
    %le3A_261 = arith.constant 1.792000e+03 : f32
    %le3A_262 = vector.broadcast %le3A_261 : f32 to vector<1x8xf32>
    %le3A_263 = arith.cmpf ole, %dot_general3A_144, %le3A_262 : vector<1x8xf32>
    %add3A_264 = arith.addf %dot_general3A_144, %mul3A_135 : vector<1x8xf32>
    %gt3A_265 = arith.constant 1.792000e+03 : f32
    %gt3A_266 = vector.broadcast %gt3A_265 : f32 to vector<1x8xf32>
    %gt3A_267 = arith.cmpf ogt, %add3A_264, %gt3A_266 : vector<1x8xf32>
    %and3A_268 = arith.andi %le3A_263, %gt3A_267 : vector<1x8xi1>
    %jit3A_269 = arith.constant 0.000000e+00 : f32
    %broadcast_in_dim3A_270 = vector.broadcast %jit3A_269 : f32 to vector<1x8xf32>
    %select_n3A_271 = arith.select %and3A_268, %convert_element_type3A_165, %broadcast_in_dim3A_270 : vector<1x8xi1>, vector<1x8xf32>
    %reduce_sum3A_272 = arith.constant dense<0.000000e+00> : vector<1xf32>
    %reduce_sum3A_273 = vector.multi_reduction <add>, %select_n3A_271, %reduce_sum3A_272 [1] : vector<1x8xf32> to vector<1xf32>
    %broadcast_in_dim3A_274 = vector.shape_cast %reduce_sum3A_273 : vector<1xf32> to vector<1x1xf32>
    %le3A_275 = arith.constant 2.048000e+03 : f32
    %le3A_276 = vector.broadcast %le3A_275 : f32 to vector<1x8xf32>
    %le3A_277 = arith.cmpf ole, %dot_general3A_144, %le3A_276 : vector<1x8xf32>
    %add3A_278 = arith.addf %dot_general3A_144, %mul3A_135 : vector<1x8xf32>
    %gt3A_279 = arith.constant 2.048000e+03 : f32
    %gt3A_280 = vector.broadcast %gt3A_279 : f32 to vector<1x8xf32>
    %gt3A_281 = arith.cmpf ogt, %add3A_278, %gt3A_280 : vector<1x8xf32>
    %and3A_282 = arith.andi %le3A_277, %gt3A_281 : vector<1x8xi1>
    %jit3A_283 = arith.constant 0.000000e+00 : f32
    %broadcast_in_dim3A_284 = vector.broadcast %jit3A_283 : f32 to vector<1x8xf32>
    %select_n3A_285 = arith.select %and3A_282, %convert_element_type3A_165, %broadcast_in_dim3A_284 : vector<1x8xi1>, vector<1x8xf32>
    %reduce_sum3A_286 = arith.constant dense<0.000000e+00> : vector<1xf32>
    %reduce_sum3A_287 = vector.multi_reduction <add>, %select_n3A_285, %reduce_sum3A_286 [1] : vector<1x8xf32> to vector<1xf32>
    %broadcast_in_dim3A_288 = vector.shape_cast %reduce_sum3A_287 : vector<1xf32> to vector<1x1xf32>
    %le3A_289 = arith.constant 2.304000e+03 : f32
    %le3A_290 = vector.broadcast %le3A_289 : f32 to vector<1x8xf32>
    %le3A_291 = arith.cmpf ole, %dot_general3A_144, %le3A_290 : vector<1x8xf32>
    %add3A_292 = arith.addf %dot_general3A_144, %mul3A_135 : vector<1x8xf32>
    %gt3A_293 = arith.constant 2.304000e+03 : f32
    %gt3A_294 = vector.broadcast %gt3A_293 : f32 to vector<1x8xf32>
    %gt3A_295 = arith.cmpf ogt, %add3A_292, %gt3A_294 : vector<1x8xf32>
    %and3A_296 = arith.andi %le3A_291, %gt3A_295 : vector<1x8xi1>
    %jit3A_297 = arith.constant 0.000000e+00 : f32
    %broadcast_in_dim3A_298 = vector.broadcast %jit3A_297 : f32 to vector<1x8xf32>
    %select_n3A_299 = arith.select %and3A_296, %convert_element_type3A_165, %broadcast_in_dim3A_298 : vector<1x8xi1>, vector<1x8xf32>
    %reduce_sum3A_300 = arith.constant dense<0.000000e+00> : vector<1xf32>
    %reduce_sum3A_301 = vector.multi_reduction <add>, %select_n3A_299, %reduce_sum3A_300 [1] : vector<1x8xf32> to vector<1xf32>
    %broadcast_in_dim3A_302 = vector.shape_cast %reduce_sum3A_301 : vector<1xf32> to vector<1x1xf32>
    %le3A_303 = arith.constant 2.560000e+03 : f32
    %le3A_304 = vector.broadcast %le3A_303 : f32 to vector<1x8xf32>
    %le3A_305 = arith.cmpf ole, %dot_general3A_144, %le3A_304 : vector<1x8xf32>
    %add3A_306 = arith.addf %dot_general3A_144, %mul3A_135 : vector<1x8xf32>
    %gt3A_307 = arith.constant 2.560000e+03 : f32
    %gt3A_308 = vector.broadcast %gt3A_307 : f32 to vector<1x8xf32>
    %gt3A_309 = arith.cmpf ogt, %add3A_306, %gt3A_308 : vector<1x8xf32>
    %and3A_310 = arith.andi %le3A_305, %gt3A_309 : vector<1x8xi1>
    %jit3A_311 = arith.constant 0.000000e+00 : f32
    %broadcast_in_dim3A_312 = vector.broadcast %jit3A_311 : f32 to vector<1x8xf32>
    %select_n3A_313 = arith.select %and3A_310, %convert_element_type3A_165, %broadcast_in_dim3A_312 : vector<1x8xi1>, vector<1x8xf32>
    %reduce_sum3A_314 = arith.constant dense<0.000000e+00> : vector<1xf32>
    %reduce_sum3A_315 = vector.multi_reduction <add>, %select_n3A_313, %reduce_sum3A_314 [1] : vector<1x8xf32> to vector<1xf32>
    %broadcast_in_dim3A_316 = vector.shape_cast %reduce_sum3A_315 : vector<1xf32> to vector<1x1xf32>
    %le3A_317 = arith.constant 2.816000e+03 : f32
    %le3A_318 = vector.broadcast %le3A_317 : f32 to vector<1x8xf32>
    %le3A_319 = arith.cmpf ole, %dot_general3A_144, %le3A_318 : vector<1x8xf32>
    %add3A_320 = arith.addf %dot_general3A_144, %mul3A_135 : vector<1x8xf32>
    %gt3A_321 = arith.constant 2.816000e+03 : f32
    %gt3A_322 = vector.broadcast %gt3A_321 : f32 to vector<1x8xf32>
    %gt3A_323 = arith.cmpf ogt, %add3A_320, %gt3A_322 : vector<1x8xf32>
    %and3A_324 = arith.andi %le3A_319, %gt3A_323 : vector<1x8xi1>
    %jit3A_325 = arith.constant 0.000000e+00 : f32
    %broadcast_in_dim3A_326 = vector.broadcast %jit3A_325 : f32 to vector<1x8xf32>
    %select_n3A_327 = arith.select %and3A_324, %convert_element_type3A_165, %broadcast_in_dim3A_326 : vector<1x8xi1>, vector<1x8xf32>
    %reduce_sum3A_328 = arith.constant dense<0.000000e+00> : vector<1xf32>
    %reduce_sum3A_329 = vector.multi_reduction <add>, %select_n3A_327, %reduce_sum3A_328 [1] : vector<1x8xf32> to vector<1xf32>
    %broadcast_in_dim3A_330 = vector.shape_cast %reduce_sum3A_329 : vector<1xf32> to vector<1x1xf32>
    %le3A_331 = arith.constant 3.072000e+03 : f32
    %le3A_332 = vector.broadcast %le3A_331 : f32 to vector<1x8xf32>
    %le3A_333 = arith.cmpf ole, %dot_general3A_144, %le3A_332 : vector<1x8xf32>
    %add3A_334 = arith.addf %dot_general3A_144, %mul3A_135 : vector<1x8xf32>
    %gt3A_335 = arith.constant 3.072000e+03 : f32
    %gt3A_336 = vector.broadcast %gt3A_335 : f32 to vector<1x8xf32>
    %gt3A_337 = arith.cmpf ogt, %add3A_334, %gt3A_336 : vector<1x8xf32>
    %and3A_338 = arith.andi %le3A_333, %gt3A_337 : vector<1x8xi1>
    %jit3A_339 = arith.constant 0.000000e+00 : f32
    %broadcast_in_dim3A_340 = vector.broadcast %jit3A_339 : f32 to vector<1x8xf32>
    %select_n3A_341 = arith.select %and3A_338, %convert_element_type3A_165, %broadcast_in_dim3A_340 : vector<1x8xi1>, vector<1x8xf32>
    %reduce_sum3A_342 = arith.constant dense<0.000000e+00> : vector<1xf32>
    %reduce_sum3A_343 = vector.multi_reduction <add>, %select_n3A_341, %reduce_sum3A_342 [1] : vector<1x8xf32> to vector<1xf32>
    %broadcast_in_dim3A_344 = vector.shape_cast %reduce_sum3A_343 : vector<1xf32> to vector<1x1xf32>
    %le3A_345 = arith.constant 3.328000e+03 : f32
    %le3A_346 = vector.broadcast %le3A_345 : f32 to vector<1x8xf32>
    %le3A_347 = arith.cmpf ole, %dot_general3A_144, %le3A_346 : vector<1x8xf32>
    %add3A_348 = arith.addf %dot_general3A_144, %mul3A_135 : vector<1x8xf32>
    %gt3A_349 = arith.constant 3.328000e+03 : f32
    %gt3A_350 = vector.broadcast %gt3A_349 : f32 to vector<1x8xf32>
    %gt3A_351 = arith.cmpf ogt, %add3A_348, %gt3A_350 : vector<1x8xf32>
    %and3A_352 = arith.andi %le3A_347, %gt3A_351 : vector<1x8xi1>
    %jit3A_353 = arith.constant 0.000000e+00 : f32
    %broadcast_in_dim3A_354 = vector.broadcast %jit3A_353 : f32 to vector<1x8xf32>
    %select_n3A_355 = arith.select %and3A_352, %convert_element_type3A_165, %broadcast_in_dim3A_354 : vector<1x8xi1>, vector<1x8xf32>
    %reduce_sum3A_356 = arith.constant dense<0.000000e+00> : vector<1xf32>
    %reduce_sum3A_357 = vector.multi_reduction <add>, %select_n3A_355, %reduce_sum3A_356 [1] : vector<1x8xf32> to vector<1xf32>
    %broadcast_in_dim3A_358 = vector.shape_cast %reduce_sum3A_357 : vector<1xf32> to vector<1x1xf32>
    %le3A_359 = arith.constant 3.584000e+03 : f32
    %le3A_360 = vector.broadcast %le3A_359 : f32 to vector<1x8xf32>
    %le3A_361 = arith.cmpf ole, %dot_general3A_144, %le3A_360 : vector<1x8xf32>
    %add3A_362 = arith.addf %dot_general3A_144, %mul3A_135 : vector<1x8xf32>
    %gt3A_363 = arith.constant 3.584000e+03 : f32
    %gt3A_364 = vector.broadcast %gt3A_363 : f32 to vector<1x8xf32>
    %gt3A_365 = arith.cmpf ogt, %add3A_362, %gt3A_364 : vector<1x8xf32>
    %and3A_366 = arith.andi %le3A_361, %gt3A_365 : vector<1x8xi1>
    %jit3A_367 = arith.constant 0.000000e+00 : f32
    %broadcast_in_dim3A_368 = vector.broadcast %jit3A_367 : f32 to vector<1x8xf32>
    %select_n3A_369 = arith.select %and3A_366, %convert_element_type3A_165, %broadcast_in_dim3A_368 : vector<1x8xi1>, vector<1x8xf32>
    %reduce_sum3A_370 = arith.constant dense<0.000000e+00> : vector<1xf32>
    %reduce_sum3A_371 = vector.multi_reduction <add>, %select_n3A_369, %reduce_sum3A_370 [1] : vector<1x8xf32> to vector<1xf32>
    %broadcast_in_dim3A_372 = vector.shape_cast %reduce_sum3A_371 : vector<1xf32> to vector<1x1xf32>
    %le3A_373 = arith.constant 3.840000e+03 : f32
    %le3A_374 = vector.broadcast %le3A_373 : f32 to vector<1x8xf32>
    %le3A_375 = arith.cmpf ole, %dot_general3A_144, %le3A_374 : vector<1x8xf32>
    %add3A_376 = arith.addf %dot_general3A_144, %mul3A_135 : vector<1x8xf32>
    %gt3A_377 = arith.constant 3.840000e+03 : f32
    %gt3A_378 = vector.broadcast %gt3A_377 : f32 to vector<1x8xf32>
    %gt3A_379 = arith.cmpf ogt, %add3A_376, %gt3A_378 : vector<1x8xf32>
    %and3A_380 = arith.andi %le3A_375, %gt3A_379 : vector<1x8xi1>
    %jit3A_381 = arith.constant 0.000000e+00 : f32
    %broadcast_in_dim3A_382 = vector.broadcast %jit3A_381 : f32 to vector<1x8xf32>
    %select_n3A_383 = arith.select %and3A_380, %convert_element_type3A_165, %broadcast_in_dim3A_382 : vector<1x8xi1>, vector<1x8xf32>
    %reduce_sum3A_384 = arith.constant dense<0.000000e+00> : vector<1xf32>
    %reduce_sum3A_385 = vector.multi_reduction <add>, %select_n3A_383, %reduce_sum3A_384 [1] : vector<1x8xf32> to vector<1xf32>
    %broadcast_in_dim3A_386 = vector.shape_cast %reduce_sum3A_385 : vector<1xf32> to vector<1x1xf32>
    %le3A_387 = arith.constant 4.096000e+03 : f32
    %le3A_388 = vector.broadcast %le3A_387 : f32 to vector<1x8xf32>
    %le3A_389 = arith.cmpf ole, %dot_general3A_144, %le3A_388 : vector<1x8xf32>
    %add3A_390 = arith.addf %dot_general3A_144, %mul3A_135 : vector<1x8xf32>
    %gt3A_391 = arith.constant 4.096000e+03 : f32
    %gt3A_392 = vector.broadcast %gt3A_391 : f32 to vector<1x8xf32>
    %gt3A_393 = arith.cmpf ogt, %add3A_390, %gt3A_392 : vector<1x8xf32>
    %and3A_394 = arith.andi %le3A_389, %gt3A_393 : vector<1x8xi1>
    %jit3A_395 = arith.constant 0.000000e+00 : f32
    %broadcast_in_dim3A_396 = vector.broadcast %jit3A_395 : f32 to vector<1x8xf32>
    %select_n3A_397 = arith.select %and3A_394, %convert_element_type3A_165, %broadcast_in_dim3A_396 : vector<1x8xi1>, vector<1x8xf32>
    %reduce_sum3A_398 = arith.constant dense<0.000000e+00> : vector<1xf32>
    %reduce_sum3A_399 = vector.multi_reduction <add>, %select_n3A_397, %reduce_sum3A_398 [1] : vector<1x8xf32> to vector<1xf32>
    %broadcast_in_dim3A_400 = vector.shape_cast %reduce_sum3A_399 : vector<1xf32> to vector<1x1xf32>
    %le3A_401 = arith.constant 4.352000e+03 : f32
    %le3A_402 = vector.broadcast %le3A_401 : f32 to vector<1x8xf32>
    %le3A_403 = arith.cmpf ole, %dot_general3A_144, %le3A_402 : vector<1x8xf32>
    %add3A_404 = arith.addf %dot_general3A_144, %mul3A_135 : vector<1x8xf32>
    %gt3A_405 = arith.constant 4.352000e+03 : f32
    %gt3A_406 = vector.broadcast %gt3A_405 : f32 to vector<1x8xf32>
    %gt3A_407 = arith.cmpf ogt, %add3A_404, %gt3A_406 : vector<1x8xf32>
    %and3A_408 = arith.andi %le3A_403, %gt3A_407 : vector<1x8xi1>
    %jit3A_409 = arith.constant 0.000000e+00 : f32
    %broadcast_in_dim3A_410 = vector.broadcast %jit3A_409 : f32 to vector<1x8xf32>
    %select_n3A_411 = arith.select %and3A_408, %convert_element_type3A_165, %broadcast_in_dim3A_410 : vector<1x8xi1>, vector<1x8xf32>
    %reduce_sum3A_412 = arith.constant dense<0.000000e+00> : vector<1xf32>
    %reduce_sum3A_413 = vector.multi_reduction <add>, %select_n3A_411, %reduce_sum3A_412 [1] : vector<1x8xf32> to vector<1xf32>
    %broadcast_in_dim3A_414 = vector.shape_cast %reduce_sum3A_413 : vector<1xf32> to vector<1x1xf32>
    %le3A_415 = arith.constant 4.608000e+03 : f32
    %le3A_416 = vector.broadcast %le3A_415 : f32 to vector<1x8xf32>
    %le3A_417 = arith.cmpf ole, %dot_general3A_144, %le3A_416 : vector<1x8xf32>
    %add3A_418 = arith.addf %dot_general3A_144, %mul3A_135 : vector<1x8xf32>
    %gt3A_419 = arith.constant 4.608000e+03 : f32
    %gt3A_420 = vector.broadcast %gt3A_419 : f32 to vector<1x8xf32>
    %gt3A_421 = arith.cmpf ogt, %add3A_418, %gt3A_420 : vector<1x8xf32>
    %and3A_422 = arith.andi %le3A_417, %gt3A_421 : vector<1x8xi1>
    %jit3A_423 = arith.constant 0.000000e+00 : f32
    %broadcast_in_dim3A_424 = vector.broadcast %jit3A_423 : f32 to vector<1x8xf32>
    %select_n3A_425 = arith.select %and3A_422, %convert_element_type3A_165, %broadcast_in_dim3A_424 : vector<1x8xi1>, vector<1x8xf32>
    %reduce_sum3A_426 = arith.constant dense<0.000000e+00> : vector<1xf32>
    %reduce_sum3A_427 = vector.multi_reduction <add>, %select_n3A_425, %reduce_sum3A_426 [1] : vector<1x8xf32> to vector<1xf32>
    %broadcast_in_dim3A_428 = vector.shape_cast %reduce_sum3A_427 : vector<1xf32> to vector<1x1xf32>
    %le3A_429 = arith.constant 4.864000e+03 : f32
    %le3A_430 = vector.broadcast %le3A_429 : f32 to vector<1x8xf32>
    %le3A_431 = arith.cmpf ole, %dot_general3A_144, %le3A_430 : vector<1x8xf32>
    %add3A_432 = arith.addf %dot_general3A_144, %mul3A_135 : vector<1x8xf32>
    %gt3A_433 = arith.constant 4.864000e+03 : f32
    %gt3A_434 = vector.broadcast %gt3A_433 : f32 to vector<1x8xf32>
    %gt3A_435 = arith.cmpf ogt, %add3A_432, %gt3A_434 : vector<1x8xf32>
    %and3A_436 = arith.andi %le3A_431, %gt3A_435 : vector<1x8xi1>
    %jit3A_437 = arith.constant 0.000000e+00 : f32
    %broadcast_in_dim3A_438 = vector.broadcast %jit3A_437 : f32 to vector<1x8xf32>
    %select_n3A_439 = arith.select %and3A_436, %convert_element_type3A_165, %broadcast_in_dim3A_438 : vector<1x8xi1>, vector<1x8xf32>
    %reduce_sum3A_440 = arith.constant dense<0.000000e+00> : vector<1xf32>
    %reduce_sum3A_441 = vector.multi_reduction <add>, %select_n3A_439, %reduce_sum3A_440 [1] : vector<1x8xf32> to vector<1xf32>
    %broadcast_in_dim3A_442 = vector.shape_cast %reduce_sum3A_441 : vector<1xf32> to vector<1x1xf32>
    %le3A_443 = arith.constant 5.120000e+03 : f32
    %le3A_444 = vector.broadcast %le3A_443 : f32 to vector<1x8xf32>
    %le3A_445 = arith.cmpf ole, %dot_general3A_144, %le3A_444 : vector<1x8xf32>
    %add3A_446 = arith.addf %dot_general3A_144, %mul3A_135 : vector<1x8xf32>
    %gt3A_447 = arith.constant 5.120000e+03 : f32
    %gt3A_448 = vector.broadcast %gt3A_447 : f32 to vector<1x8xf32>
    %gt3A_449 = arith.cmpf ogt, %add3A_446, %gt3A_448 : vector<1x8xf32>
    %and3A_450 = arith.andi %le3A_445, %gt3A_449 : vector<1x8xi1>
    %jit3A_451 = arith.constant 0.000000e+00 : f32
    %broadcast_in_dim3A_452 = vector.broadcast %jit3A_451 : f32 to vector<1x8xf32>
    %select_n3A_453 = arith.select %and3A_450, %convert_element_type3A_165, %broadcast_in_dim3A_452 : vector<1x8xi1>, vector<1x8xf32>
    %reduce_sum3A_454 = arith.constant dense<0.000000e+00> : vector<1xf32>
    %reduce_sum3A_455 = vector.multi_reduction <add>, %select_n3A_453, %reduce_sum3A_454 [1] : vector<1x8xf32> to vector<1xf32>
    %broadcast_in_dim3A_456 = vector.shape_cast %reduce_sum3A_455 : vector<1xf32> to vector<1x1xf32>
    %le3A_457 = arith.constant 5.376000e+03 : f32
    %le3A_458 = vector.broadcast %le3A_457 : f32 to vector<1x8xf32>
    %le3A_459 = arith.cmpf ole, %dot_general3A_144, %le3A_458 : vector<1x8xf32>
    %add3A_460 = arith.addf %dot_general3A_144, %mul3A_135 : vector<1x8xf32>
    %gt3A_461 = arith.constant 5.376000e+03 : f32
    %gt3A_462 = vector.broadcast %gt3A_461 : f32 to vector<1x8xf32>
    %gt3A_463 = arith.cmpf ogt, %add3A_460, %gt3A_462 : vector<1x8xf32>
    %and3A_464 = arith.andi %le3A_459, %gt3A_463 : vector<1x8xi1>
    %jit3A_465 = arith.constant 0.000000e+00 : f32
    %broadcast_in_dim3A_466 = vector.broadcast %jit3A_465 : f32 to vector<1x8xf32>
    %select_n3A_467 = arith.select %and3A_464, %convert_element_type3A_165, %broadcast_in_dim3A_466 : vector<1x8xi1>, vector<1x8xf32>
    %reduce_sum3A_468 = arith.constant dense<0.000000e+00> : vector<1xf32>
    %reduce_sum3A_469 = vector.multi_reduction <add>, %select_n3A_467, %reduce_sum3A_468 [1] : vector<1x8xf32> to vector<1xf32>
    %broadcast_in_dim3A_470 = vector.shape_cast %reduce_sum3A_469 : vector<1xf32> to vector<1x1xf32>
    %le3A_471 = arith.constant 5.632000e+03 : f32
    %le3A_472 = vector.broadcast %le3A_471 : f32 to vector<1x8xf32>
    %le3A_473 = arith.cmpf ole, %dot_general3A_144, %le3A_472 : vector<1x8xf32>
    %add3A_474 = arith.addf %dot_general3A_144, %mul3A_135 : vector<1x8xf32>
    %gt3A_475 = arith.constant 5.632000e+03 : f32
    %gt3A_476 = vector.broadcast %gt3A_475 : f32 to vector<1x8xf32>
    %gt3A_477 = arith.cmpf ogt, %add3A_474, %gt3A_476 : vector<1x8xf32>
    %and3A_478 = arith.andi %le3A_473, %gt3A_477 : vector<1x8xi1>
    %jit3A_479 = arith.constant 0.000000e+00 : f32
    %broadcast_in_dim3A_480 = vector.broadcast %jit3A_479 : f32 to vector<1x8xf32>
    %select_n3A_481 = arith.select %and3A_478, %convert_element_type3A_165, %broadcast_in_dim3A_480 : vector<1x8xi1>, vector<1x8xf32>
    %reduce_sum3A_482 = arith.constant dense<0.000000e+00> : vector<1xf32>
    %reduce_sum3A_483 = vector.multi_reduction <add>, %select_n3A_481, %reduce_sum3A_482 [1] : vector<1x8xf32> to vector<1xf32>
    %broadcast_in_dim3A_484 = vector.shape_cast %reduce_sum3A_483 : vector<1xf32> to vector<1x1xf32>
    %le3A_485 = arith.constant 5.888000e+03 : f32
    %le3A_486 = vector.broadcast %le3A_485 : f32 to vector<1x8xf32>
    %le3A_487 = arith.cmpf ole, %dot_general3A_144, %le3A_486 : vector<1x8xf32>
    %add3A_488 = arith.addf %dot_general3A_144, %mul3A_135 : vector<1x8xf32>
    %gt3A_489 = arith.constant 5.888000e+03 : f32
    %gt3A_490 = vector.broadcast %gt3A_489 : f32 to vector<1x8xf32>
    %gt3A_491 = arith.cmpf ogt, %add3A_488, %gt3A_490 : vector<1x8xf32>
    %and3A_492 = arith.andi %le3A_487, %gt3A_491 : vector<1x8xi1>
    %jit3A_493 = arith.constant 0.000000e+00 : f32
    %broadcast_in_dim3A_494 = vector.broadcast %jit3A_493 : f32 to vector<1x8xf32>
    %select_n3A_495 = arith.select %and3A_492, %convert_element_type3A_165, %broadcast_in_dim3A_494 : vector<1x8xi1>, vector<1x8xf32>
    %reduce_sum3A_496 = arith.constant dense<0.000000e+00> : vector<1xf32>
    %reduce_sum3A_497 = vector.multi_reduction <add>, %select_n3A_495, %reduce_sum3A_496 [1] : vector<1x8xf32> to vector<1xf32>
    %broadcast_in_dim3A_498 = vector.shape_cast %reduce_sum3A_497 : vector<1xf32> to vector<1x1xf32>
    %reduce_sum3A_499 = arith.constant dense<0.000000e+00> : vector<1xf32>
    %reduce_sum3A_500 = vector.multi_reduction <add>, %mul3A_135, %reduce_sum3A_499 [1] : vector<1x8xf32> to vector<1xf32>
    %broadcast_in_dim3A_501 = vector.shape_cast %reduce_sum3A_500 : vector<1xf32> to vector<1x1xf32>
    %mul3A_502 = arith.constant 3.906250e-03 : f32
    %mul3A_503 = vector.broadcast %mul3A_502 : f32 to vector<1x1xf32>
    %mul3A_504 = arith.mulf %broadcast_in_dim3A_501, %mul3A_503 : vector<1x1xf32>
    %broadcast_in_dim3A_505 = arith.constant 0.000000e+00 : f32
    %broadcast_in_dim3A_506 = vector.broadcast %broadcast_in_dim3A_505 : f32 to vector<1x7xf32>
    %concatenate3A_507 = tpu.concatenate %broadcast_in_dim3A_176, %broadcast_in_dim3A_190, %broadcast_in_dim3A_204, %broadcast_in_dim3A_218, %broadcast_in_dim3A_232, %broadcast_in_dim3A_246, %broadcast_in_dim3A_260, %broadcast_in_dim3A_274, %broadcast_in_dim3A_288, %broadcast_in_dim3A_302, %broadcast_in_dim3A_316, %broadcast_in_dim3A_330, %broadcast_in_dim3A_344, %broadcast_in_dim3A_358, %broadcast_in_dim3A_372, %broadcast_in_dim3A_386, %broadcast_in_dim3A_400, %broadcast_in_dim3A_414, %broadcast_in_dim3A_428, %broadcast_in_dim3A_442, %broadcast_in_dim3A_456, %broadcast_in_dim3A_470, %broadcast_in_dim3A_484, %broadcast_in_dim3A_498, %mul3A_504, %broadcast_in_dim3A_506 in 1 : vector<1x1xf32>, vector<1x1xf32>, vector<1x1xf32>, vector<1x1xf32>, vector<1x1xf32>, vector<1x1xf32>, vector<1x1xf32>, vector<1x1xf32>, vector<1x1xf32>, vector<1x1xf32>, vector<1x1xf32>, vector<1x1xf32>, vector<1x1xf32>, vector<1x1xf32>, vector<1x1xf32>, vector<1x1xf32>, vector<1x1xf32>, vector<1x1xf32>, vector<1x1xf32>, vector<1x1xf32>, vector<1x1xf32>, vector<1x1xf32>, vector<1x1xf32>, vector<1x1xf32>, vector<1x1xf32>, vector<1x7xf32> -> vector<1x32xf32>
    %convert_element_type3A_508 = arith.fptosi %concatenate3A_507 : vector<1x32xf32> to vector<1x32xi32>
    %swap3A_509 = arith.constant 0 : index
    %swap3A_510 = arith.constant 0 : index
    %swap3A_511 = vector.load %arg4[%swap3A_509, %swap3A_510] : memref<1x32xi32, #tpu.memory_space<vmem>>, vector<1x32xi32>
    tpu.vector_store %arg4[%swap3A_509, %swap3A_510], %convert_element_type3A_508 {strides = array<i32>} : memref<1x32xi32, #tpu.memory_space<vmem>>, vector<1x32xi32>,
    return
  }
}

module attributes {stable_mosaic.version = 14 : i64} {
  func.func @_ffn_kernel(%arg0: i32, %arg1: memref<1x32xi32, #tpu.memory_space<smem>>, %arg2: memref<256x1024xf32, #tpu.memory_space<vmem>>, %arg3: memref<8x1024x512xf32, #tpu.memory_space<vmem>>, %arg4: memref<8x1x512xf32, #tpu.memory_space<vmem>>, %arg5: memref<8x512x1024xf32, #tpu.memory_space<vmem>>, %arg6: memref<8x1x1024xf32, #tpu.memory_space<vmem>>, %arg7: memref<256x1024xf32, #tpu.memory_space<vmem>>) attributes {dimension_semantics = [#tpu.dimension_semantics<arbitrary>], iteration_bounds = array<i64: 24>, scalar_prefetch = 0 : i64, scratch_operands = 0 : i64, tpu.core_type = #tpu.core_type<tc>, window_params = [{transform_indices = @transform_0, window_bounds = array<i64: 1, 32>}, {transform_indices = @transform_1, window_bounds = array<i64: 256, 1024>}, {pipeline_mode = #tpu.pipeline_mode<synchronous>, transform_indices = @transform_2, window_bounds = array<i64: 8, 1024, 512>}, {pipeline_mode = #tpu.pipeline_mode<synchronous>, transform_indices = @transform_3, window_bounds = array<i64: 8, 1, 512>}, {pipeline_mode = #tpu.pipeline_mode<synchronous>, transform_indices = @transform_4, window_bounds = array<i64: 8, 512, 1024>}, {pipeline_mode = #tpu.pipeline_mode<synchronous>, transform_indices = @transform_5, window_bounds = array<i64: 8, 1, 1024>}, {transform_indices = @transform_6, window_bounds = array<i64: 256, 1024>}]} {
    %get3A = arith.constant 0 : index
    %get3A_0 = arith.constant 24 : index
    %get3A_1 = memref.load %arg1[%get3A, %get3A_0] : memref<1x32xi32, #tpu.memory_space<smem>>
    %lt3A = arith.cmpi slt, %arg0, %get3A_1 : i32
    %convert_element_type3A = arith.extui %lt3A : i1 to i32
    %cond3A = arith.constant 0 : i32
    %cond3A_2 = arith.cmpi ne, %convert_element_type3A, %cond3A : i32
    scf.if %cond3A_2 {
      %get3A_3 = arith.constant 0 : index
      %get3A_4 = arith.index_cast %arg0 : i32 to index
      %get3A_5 = memref.load %arg1[%get3A_3, %get3A_4] : memref<1x32xi32, #tpu.memory_space<smem>>
      %get3A_6 = arith.constant 0 : index
      %get3A_7 = arith.constant 0 : index
      %get3A_8 = vector.load %arg2[%get3A_6, %get3A_7] : memref<256x1024xf32, #tpu.memory_space<vmem>>, vector<256x1024xf32>
      %get3A_9 = arith.index_cast %get3A_5 : i32 to index
      %get3A_10 = arith.constant 0 : index
      %get3A_11 = arith.constant 0 : index
      %get3A_12 = vector.load %arg3[%get3A_9, %get3A_10, %get3A_11] : memref<8x1024x512xf32, #tpu.memory_space<vmem>>, vector<1x1024x512xf32>
      %get3A_13 = vector.shape_cast %get3A_12 : vector<1x1024x512xf32> to vector<1024x512xf32>
      %dot_general3A = arith.constant dense<0.000000e+00> : vector<256x512xf32>
      %dot_general3A_14 = tpu.matmul %get3A_8, %get3A_13, %dot_general3A {dimension_numbers = #tpu.dot_dimension_numbers<[1], [0], [0], [1], [0, 0, 1, 1], [], []>, transpose_lhs_hint = false} : vector<256x1024xf32>, vector<1024x512xf32>, vector<256x512xf32> -> vector<256x512xf32>
      %get3A_15 = arith.index_cast %get3A_5 : i32 to index
      %get3A_16 = arith.constant 0 : index
      %get3A_17 = arith.constant 0 : index
      %get3A_18 = vector.load %arg4[%get3A_15, %get3A_16, %get3A_17] : memref<8x1x512xf32, #tpu.memory_space<vmem>>, vector<1x1x512xf32>
      %get3A_19 = vector.shape_cast %get3A_18 : vector<1x1x512xf32> to vector<1x512xf32>
      %add3A = vector.broadcast %get3A_19 : vector<1x512xf32> to vector<256x512xf32>
      %add3A_20 = arith.addf %dot_general3A_14, %add3A : vector<256x512xf32>
      %integer_pow3A = arith.mulf %add3A_20, %add3A_20 : vector<256x512xf32>
      %integer_pow3A_21 = arith.mulf %add3A_20, %integer_pow3A : vector<256x512xf32>
      %mul3A = arith.constant 4.471500e-02 : f32
      %mul3A_22 = vector.broadcast %mul3A : f32 to vector<256x512xf32>
      %mul3A_23 = arith.mulf %mul3A_22, %integer_pow3A_21 : vector<256x512xf32>
      %add3A_24 = arith.addf %add3A_20, %mul3A_23 : vector<256x512xf32>
      %mul3A_25 = arith.constant 0.797884583 : f32
      %mul3A_26 = vector.broadcast %mul3A_25 : f32 to vector<256x512xf32>
      %mul3A_27 = arith.mulf %mul3A_26, %add3A_24 : vector<256x512xf32>
      %tanh3A = math.tanh %mul3A_27 : vector<256x512xf32>
      %add3A_28 = arith.constant 1.000000e+00 : f32
      %add3A_29 = vector.broadcast %add3A_28 : f32 to vector<256x512xf32>
      %add3A_30 = arith.addf %add3A_29, %tanh3A : vector<256x512xf32>
      %mul3A_31 = arith.constant 5.000000e-01 : f32
      %mul3A_32 = vector.broadcast %mul3A_31 : f32 to vector<256x512xf32>
      %mul3A_33 = arith.mulf %mul3A_32, %add3A_30 : vector<256x512xf32>
      %mul3A_34 = arith.mulf %add3A_20, %mul3A_33 : vector<256x512xf32>
      %get3A_35 = arith.index_cast %get3A_5 : i32 to index
      %get3A_36 = arith.constant 0 : index
      %get3A_37 = arith.constant 0 : index
      %get3A_38 = vector.load %arg5[%get3A_35, %get3A_36, %get3A_37] : memref<8x512x1024xf32, #tpu.memory_space<vmem>>, vector<1x512x1024xf32>
      %get3A_39 = vector.shape_cast %get3A_38 : vector<1x512x1024xf32> to vector<512x1024xf32>
      %dot_general3A_40 = arith.constant dense<0.000000e+00> : vector<256x1024xf32>
      %dot_general3A_41 = tpu.matmul %mul3A_34, %get3A_39, %dot_general3A_40 {dimension_numbers = #tpu.dot_dimension_numbers<[1], [0], [0], [1], [0, 0, 1, 1], [], []>, transpose_lhs_hint = false} : vector<256x512xf32>, vector<512x1024xf32>, vector<256x1024xf32> -> vector<256x1024xf32>
      %get3A_42 = arith.index_cast %get3A_5 : i32 to index
      %get3A_43 = arith.constant 0 : index
      %get3A_44 = arith.constant 0 : index
      %get3A_45 = vector.load %arg6[%get3A_42, %get3A_43, %get3A_44] : memref<8x1x1024xf32, #tpu.memory_space<vmem>>, vector<1x1x1024xf32>
      %get3A_46 = vector.shape_cast %get3A_45 : vector<1x1x1024xf32> to vector<1x1024xf32>
      %add3A_47 = vector.broadcast %get3A_46 : vector<1x1024xf32> to vector<256x1024xf32>
      %add3A_48 = arith.addf %dot_general3A_41, %add3A_47 : vector<256x1024xf32>
      %swap3A = arith.constant 0 : index
      %swap3A_49 = arith.constant 0 : index
      %swap3A_50 = vector.load %arg7[%swap3A, %swap3A_49] : memref<256x1024xf32, #tpu.memory_space<vmem>>, vector<256x1024xf32>
      tpu.vector_store %arg7[%swap3A, %swap3A_49], %add3A_48 {strides = array<i32>} : memref<256x1024xf32, #tpu.memory_space<vmem>>, vector<256x1024xf32>,
    } else {
    }
    return
  }
  func.func @transform_0(%arg0: i32) -> (i32, i32) {
    %c0_i32 = arith.constant 0 : i32
    %c0_i32_0 = arith.constant 0 : i32
    %c0_i32_1 = arith.constant 0 : i32
    return %c0_i32, %c0_i32_0 : i32, i32
  }
  func.func @transform_1(%arg0: i32) -> (i32, i32) {
    %c0_i32 = arith.constant 0 : i32
    %c0_i32_0 = arith.constant 0 : i32
    return %arg0, %c0_i32 : i32, i32
  }
  func.func @transform_2(%arg0: i32) -> (i32, i32, i32) {
    %c0_i32 = arith.constant 0 : i32
    %c0_i32_0 = arith.constant 0 : i32
    %c0_i32_1 = arith.constant 0 : i32
    %c0_i32_2 = arith.constant 0 : i32
    return %c0_i32, %c0_i32_0, %c0_i32_1 : i32, i32, i32
  }
  func.func @transform_3(%arg0: i32) -> (i32, i32, i32) {
    %c0_i32 = arith.constant 0 : i32
    %c0_i32_0 = arith.constant 0 : i32
    %c0_i32_1 = arith.constant 0 : i32
    %c0_i32_2 = arith.constant 0 : i32
    return %c0_i32, %c0_i32_0, %c0_i32_1 : i32, i32, i32
  }
  func.func @transform_4(%arg0: i32) -> (i32, i32, i32) {
    %c0_i32 = arith.constant 0 : i32
    %c0_i32_0 = arith.constant 0 : i32
    %c0_i32_1 = arith.constant 0 : i32
    %c0_i32_2 = arith.constant 0 : i32
    return %c0_i32, %c0_i32_0, %c0_i32_1 : i32, i32, i32
  }
  func.func @transform_5(%arg0: i32) -> (i32, i32, i32) {
    %c0_i32 = arith.constant 0 : i32
    %c0_i32_0 = arith.constant 0 : i32
    %c0_i32_1 = arith.constant 0 : i32
    %c0_i32_2 = arith.constant 0 : i32
    return %c0_i32, %c0_i32_0, %c0_i32_1 : i32, i32, i32
  }
  func.func @transform_6(%arg0: i32) -> (i32, i32) {
    %c0_i32 = arith.constant 0 : i32
    %c0_i32_0 = arith.constant 0 : i32
    return %arg0, %c0_i32 : i32, i32
  }
}

module attributes {stable_mosaic.version = 14 : i64} {
  func.func @_combine_kernel(%arg0: i32, %arg1: memref<512x1024xf32, #tpu.memory_space<vmem>>, %arg2: memref<2x512x1024xf32, #tpu.memory_space<vmem>>, %arg3: memref<512x2xf32, #tpu.memory_space<vmem>>, %arg4: memref<1024x512xf32, #tpu.memory_space<vmem>>, %arg5: memref<1x512xf32, #tpu.memory_space<vmem>>, %arg6: memref<512x1024xf32, #tpu.memory_space<vmem>>, %arg7: memref<1x1024xf32, #tpu.memory_space<vmem>>, %arg8: memref<1024x1xf32, #tpu.memory_space<vmem>>, %arg9: memref<1x1xf32, #tpu.memory_space<vmem>>, %arg10: memref<512x1024xf32, #tpu.memory_space<vmem>>) attributes {dimension_semantics = [#tpu.dimension_semantics<arbitrary>], iteration_bounds = array<i64: 4>, scalar_prefetch = 0 : i64, scratch_operands = 0 : i64, tpu.core_type = #tpu.core_type<tc>, window_params = [{transform_indices = @transform_0, window_bounds = array<i64: 512, 1024>}, {transform_indices = @transform_1, window_bounds = array<i64: 2, 512, 1024>}, {transform_indices = @transform_2, window_bounds = array<i64: 512, 2>}, {pipeline_mode = #tpu.pipeline_mode<synchronous>, transform_indices = @transform_3, window_bounds = array<i64: 1024, 512>}, {pipeline_mode = #tpu.pipeline_mode<synchronous>, transform_indices = @transform_4, window_bounds = array<i64: 1, 512>}, {pipeline_mode = #tpu.pipeline_mode<synchronous>, transform_indices = @transform_5, window_bounds = array<i64: 512, 1024>}, {pipeline_mode = #tpu.pipeline_mode<synchronous>, transform_indices = @transform_6, window_bounds = array<i64: 1, 1024>}, {pipeline_mode = #tpu.pipeline_mode<synchronous>, transform_indices = @transform_7, window_bounds = array<i64: 1024, 1>}, {pipeline_mode = #tpu.pipeline_mode<synchronous>, transform_indices = @transform_8, window_bounds = array<i64: 1, 1>}, {transform_indices = @transform_9, window_bounds = array<i64: 512, 1024>}]} {
    %get3A = arith.constant 0 : index
    %get3A_0 = arith.constant 0 : index
    %get3A_1 = vector.load %arg1[%get3A, %get3A_0] : memref<512x1024xf32, #tpu.memory_space<vmem>>, vector<512x1024xf32>
    %get3A_2 = arith.constant 0 : index
    %get3A_3 = arith.constant 0 : index
    %get3A_4 = vector.load %arg4[%get3A_2, %get3A_3] : memref<1024x512xf32, #tpu.memory_space<vmem>>, vector<1024x512xf32>
    %dot_general3A = arith.constant dense<0.000000e+00> : vector<512x512xf32>
    %dot_general3A_5 = tpu.matmul %get3A_1, %get3A_4, %dot_general3A {dimension_numbers = #tpu.dot_dimension_numbers<[1], [0], [0], [1], [0, 0, 1, 1], [], []>, transpose_lhs_hint = false} : vector<512x1024xf32>, vector<1024x512xf32>, vector<512x512xf32> -> vector<512x512xf32>
    %get3A_6 = arith.constant 0 : index
    %get3A_7 = arith.constant 0 : index
    %get3A_8 = vector.load %arg5[%get3A_6, %get3A_7] : memref<1x512xf32, #tpu.memory_space<vmem>>, vector<1x512xf32>
    %add3A = vector.broadcast %get3A_8 : vector<1x512xf32> to vector<512x512xf32>
    %add3A_9 = arith.addf %dot_general3A_5, %add3A : vector<512x512xf32>
    %integer_pow3A = arith.mulf %add3A_9, %add3A_9 : vector<512x512xf32>
    %integer_pow3A_10 = arith.mulf %add3A_9, %integer_pow3A : vector<512x512xf32>
    %mul3A = arith.constant 4.471500e-02 : f32
    %mul3A_11 = vector.broadcast %mul3A : f32 to vector<512x512xf32>
    %mul3A_12 = arith.mulf %mul3A_11, %integer_pow3A_10 : vector<512x512xf32>
    %add3A_13 = arith.addf %add3A_9, %mul3A_12 : vector<512x512xf32>
    %mul3A_14 = arith.constant 0.797884583 : f32
    %mul3A_15 = vector.broadcast %mul3A_14 : f32 to vector<512x512xf32>
    %mul3A_16 = arith.mulf %mul3A_15, %add3A_13 : vector<512x512xf32>
    %tanh3A = math.tanh %mul3A_16 : vector<512x512xf32>
    %add3A_17 = arith.constant 1.000000e+00 : f32
    %add3A_18 = vector.broadcast %add3A_17 : f32 to vector<512x512xf32>
    %add3A_19 = arith.addf %add3A_18, %tanh3A : vector<512x512xf32>
    %mul3A_20 = arith.constant 5.000000e-01 : f32
    %mul3A_21 = vector.broadcast %mul3A_20 : f32 to vector<512x512xf32>
    %mul3A_22 = arith.mulf %mul3A_21, %add3A_19 : vector<512x512xf32>
    %mul3A_23 = arith.mulf %add3A_9, %mul3A_22 : vector<512x512xf32>
    %get3A_24 = arith.constant 0 : index
    %get3A_25 = arith.constant 0 : index
    %get3A_26 = vector.load %arg6[%get3A_24, %get3A_25] : memref<512x1024xf32, #tpu.memory_space<vmem>>, vector<512x1024xf32>
    %dot_general3A_27 = arith.constant dense<0.000000e+00> : vector<512x1024xf32>
    %dot_general3A_28 = tpu.matmul %mul3A_23, %get3A_26, %dot_general3A_27 {dimension_numbers = #tpu.dot_dimension_numbers<[1], [0], [0], [1], [0, 0, 1, 1], [], []>, transpose_lhs_hint = false} : vector<512x512xf32>, vector<512x1024xf32>, vector<512x1024xf32> -> vector<512x1024xf32>
    %get3A_29 = arith.constant 0 : index
    %get3A_30 = arith.constant 0 : index
    %get3A_31 = vector.load %arg7[%get3A_29, %get3A_30] : memref<1x1024xf32, #tpu.memory_space<vmem>>, vector<1x1024xf32>
    %add3A_32 = vector.broadcast %get3A_31 : vector<1x1024xf32> to vector<512x1024xf32>
    %add3A_33 = arith.addf %dot_general3A_28, %add3A_32 : vector<512x1024xf32>
    %get3A_34 = arith.constant 0 : index
    %get3A_35 = arith.constant 0 : index
    %get3A_36 = vector.load %arg8[%get3A_34, %get3A_35] : memref<1024x1xf32, #tpu.memory_space<vmem>>, vector<1024x1xf32>
    %dot_general3A_37 = arith.constant dense<0.000000e+00> : vector<512x1xf32>
    %dot_general3A_38 = tpu.matmul %get3A_1, %get3A_36, %dot_general3A_37 {dimension_numbers = #tpu.dot_dimension_numbers<[1], [0], [0], [1], [0, 0, 1, 1], [], []>, transpose_lhs_hint = false} : vector<512x1024xf32>, vector<1024x1xf32>, vector<512x1xf32> -> vector<512x1xf32>
    %get3A_39 = arith.constant 0 : index
    %get3A_40 = arith.constant 0 : index
    %get3A_41 = vector.load %arg9[%get3A_39, %get3A_40] : memref<1x1xf32, #tpu.memory_space<vmem>>, vector<1x1xf32>
    %add3A_42 = vector.broadcast %get3A_41 : vector<1x1xf32> to vector<512x1xf32>
    %add3A_43 = arith.addf %dot_general3A_38, %add3A_42 : vector<512x1xf32>
    %logistic3A = arith.negf %add3A_43 : vector<512x1xf32>
    %logistic3A_44 = math.exp %logistic3A : vector<512x1xf32>
    %logistic3A_45 = arith.constant 1.000000e+00 : f32
    %logistic3A_46 = vector.broadcast %logistic3A_45 : f32 to vector<512x1xf32>
    %logistic3A_47 = arith.addf %logistic3A_46, %logistic3A_44 : vector<512x1xf32>
    %logistic3A_48 = arith.divf %logistic3A_46, %logistic3A_47 : vector<512x1xf32>
    %get3A_49 = arith.constant 0 : index
    %get3A_50 = arith.constant 0 : index
    %get3A_51 = vector.load %arg3[%get3A_49, %get3A_50] : memref<512x2xf32, #tpu.memory_space<vmem>>, vector<512x1xf32>
    %get3A_52 = arith.constant 0 : index
    %get3A_53 = arith.constant 1 : index
    %get3A_54 = vector.load %arg3[%get3A_52, %get3A_53] : memref<512x2xf32, #tpu.memory_space<vmem>>, vector<512x1xf32>
    %get3A_55 = arith.constant 0 : index
    %get3A_56 = arith.constant 0 : index
    %get3A_57 = arith.constant 0 : index
    %get3A_58 = vector.load %arg2[%get3A_55, %get3A_56, %get3A_57] : memref<2x512x1024xf32, #tpu.memory_space<vmem>>, vector<1x512x1024xf32>
    %get3A_59 = vector.shape_cast %get3A_58 : vector<1x512x1024xf32> to vector<512x1024xf32>
    %mul3A_60 = vector.broadcast %get3A_51 : vector<512x1xf32> to vector<512x1024xf32>
    %mul3A_61 = arith.mulf %mul3A_60, %get3A_59 : vector<512x1024xf32>
    %get3A_62 = arith.constant 1 : index
    %get3A_63 = arith.constant 0 : index
    %get3A_64 = arith.constant 0 : index
    %get3A_65 = vector.load %arg2[%get3A_62, %get3A_63, %get3A_64] : memref<2x512x1024xf32, #tpu.memory_space<vmem>>, vector<1x512x1024xf32>
    %get3A_66 = vector.shape_cast %get3A_65 : vector<1x512x1024xf32> to vector<512x1024xf32>
    %mul3A_67 = vector.broadcast %get3A_54 : vector<512x1xf32> to vector<512x1024xf32>
    %mul3A_68 = arith.mulf %mul3A_67, %get3A_66 : vector<512x1024xf32>
    %add3A_69 = arith.addf %mul3A_61, %mul3A_68 : vector<512x1024xf32>
    %mul3A_70 = vector.broadcast %logistic3A_48 : vector<512x1xf32> to vector<512x1024xf32>
    %mul3A_71 = arith.mulf %mul3A_70, %add3A_33 : vector<512x1024xf32>
    %add3A_72 = arith.addf %add3A_69, %mul3A_71 : vector<512x1024xf32>
    %swap3A = arith.constant 0 : index
    %swap3A_73 = arith.constant 0 : index
    %swap3A_74 = vector.load %arg10[%swap3A, %swap3A_73] : memref<512x1024xf32, #tpu.memory_space<vmem>>, vector<512x1024xf32>
    tpu.vector_store %arg10[%swap3A, %swap3A_73], %add3A_72 {strides = array<i32>} : memref<512x1024xf32, #tpu.memory_space<vmem>>, vector<512x1024xf32>,
    return
  }
  func.func @transform_0(%arg0: i32) -> (i32, i32) {
    %c0_i32 = arith.constant 0 : i32
    %c0_i32_0 = arith.constant 0 : i32
    return %arg0, %c0_i32 : i32, i32
  }
  func.func @transform_1(%arg0: i32) -> (i32, i32, i32) {
    %c0_i32 = arith.constant 0 : i32
    %c0_i32_0 = arith.constant 0 : i32
    %c0_i32_1 = arith.constant 0 : i32
    return %c0_i32, %arg0, %c0_i32_0 : i32, i32, i32
  }
  func.func @transform_2(%arg0: i32) -> (i32, i32) {
    %c0_i32 = arith.constant 0 : i32
    %c0_i32_0 = arith.constant 0 : i32
    return %arg0, %c0_i32 : i32, i32
  }
  func.func @transform_3(%arg0: i32) -> (i32, i32) {
    %c0_i32 = arith.constant 0 : i32
    %c0_i32_0 = arith.constant 0 : i32
    %c0_i32_1 = arith.constant 0 : i32
    return %c0_i32, %c0_i32_0 : i32, i32
  }
  func.func @transform_4(%arg0: i32) -> (i32, i32) {
    %c0_i32 = arith.constant 0 : i32
    %c0_i32_0 = arith.constant 0 : i32
    %c0_i32_1 = arith.constant 0 : i32
    return %c0_i32, %c0_i32_0 : i32, i32
  }
  func.func @transform_5(%arg0: i32) -> (i32, i32) {
    %c0_i32 = arith.constant 0 : i32
    %c0_i32_0 = arith.constant 0 : i32
    %c0_i32_1 = arith.constant 0 : i32
    return %c0_i32, %c0_i32_0 : i32, i32
  }
  func.func @transform_6(%arg0: i32) -> (i32, i32) {
    %c0_i32 = arith.constant 0 : i32
    %c0_i32_0 = arith.constant 0 : i32
    %c0_i32_1 = arith.constant 0 : i32
    return %c0_i32, %c0_i32_0 : i32, i32
  }
  func.func @transform_7(%arg0: i32) -> (i32, i32) {
    %c0_i32 = arith.constant 0 : i32
    %c0_i32_0 = arith.constant 0 : i32
    %c0_i32_1 = arith.constant 0 : i32
    return %c0_i32, %c0_i32_0 : i32, i32
  }
  func.func @transform_8(%arg0: i32) -> (i32, i32) {
    %c0_i32 = arith.constant 0 : i32
    %c0_i32_0 = arith.constant 0 : i32
    %c0_i32_1 = arith.constant 0 : i32
    return %c0_i32, %c0_i32_0 : i32, i32
  }
  func.func @transform_9(%arg0: i32) -> (i32, i32) {
    %c0_i32 = arith.constant 0 : i32
    %c0_i32_0 = arith.constant 0 : i32
    return %arg0, %c0_i32 : i32, i32
  }
}

</mosaic_0001>

<sc_bundles>
// kernel: kernel.10.cloned.1.call-start
scs
__scs_entry_jumppad:
0x0: {  	(pc) =	sbr.rel $0x88, $3  }
0x1: {  	(tag) =	ssettag $0x0;
	lr =	simm.s32 $0x1  }
0x2: {  	[smem:$0x3F95] =	sst lr;
	_ =	strace $0xD0000000  }
0x3: {  	_ = 	snop  }
0x4: {  	_ = 	snop  }
0x5: {  	_ = 	snop  }
0x6: {  	_ = 	snop  }
0x7: {  	_ = 	snop  }
__scs_overlays_trampoline_lowered:
0x8: {  	[smem:$0x3FA4] =	sst s0  }
0x9: {  	[smem:$0x3FA5] =	sst s1  }
0xa: {  	[smem:$0x3FA6] =	sst s2  }
0xb: {  	[smem:$0x3FA7] =	sst s3  }
0xc: {  	[smem:$0x3FA8] =	sst s4  }
0xd: {  	[smem:$0x3FA9] =	sst s5  }
0xe: {  	[smem:$0x3FAA] =	sst s6  }
0xf: {  	[smem:$0x3FAB] =	sst s7  }
0x10: {  	[smem:$0x3FAC] =	sst s8  }
0x11: {  	[smem:$0x3FAD] =	sst s9;
	s0 =	simm.s32 @!p0 $0x0  }
0x12: {  	s1 =	sld [smem:$0x3F93];
	s0 =	simm.s32 @p0 $0x1  }
0x13: {  	[smem:$0x3FAE] =	sst s0;
	s0 =	simm.s32 @!p1 $0x0  }
0x14: {  	s2 =	sld [smem:$0x3F92];
	s0 =	simm.s32 @p1 $0x1  }
0x15: {  	[smem:$0x3FAF] =	sst s0;
	s0 =	simm.s32 @!p2 $0x0  }
0x16: {  	s3 =	sld [smem:$0x3FDB];
	s0 =	simm.s32 @p2 $0x1  }
0x17: {  	s4 =	simm.s32 $0x1BF5;
	[smem:$0x3FB1] =	sst s0  }
0x18: {  	s0 =	sld [smem:$0x3F94];
	_ =	swait.ge [sflag:s4], $0x0  }
0x19: {  	s7 =	sld [smem:$0x3F95]  }
0x1a: {  	s8 =	sadd.s32 $0xFFFFE003, lr  }
0x1b: {  	s9 =	sadd.s32 $0xFFFFFEF7, lr;
	s5 =	simm.s32 $0xFFFFFFFF;
	p2 =	slt.u32 s8, $0xFFFFF086  }
0x1c: {  	p1 =	slt.u32 s9, $0xF7A;
	s5 =	simm.s32 @!p2 $0x0  }
0x1d: {  	s5 =	simm.s32 @p1 $0x1;
	p0 =	seq.s32 s7, s2  }
0x1e: {  	s7 =	smul.u32 @!p0 $0xF7A, s2;
	p2 =	seq.s32 @!p0 s5, $0x0  }
0x1f: {  	s9 =	smul.u32 $0xF7A, s1;
	s8 =	simm.s32 @!p0 $0x1BF5;
	p2 =	por !p2, p0  }
0x20: {  	[sflag:s8] =	ssyncset.s32 @!p0 $0xFFFFF086;
	s6 =	sadd.s32 @!p0 s3, s7;
	s7 =	simm.s32 @!p0 $0x108  }
0x21: {  	s3 =	sadd.s32 s3, s9;
	s6 =	sadd.s32 @!p0 $0x88, s6;
	s7 =	simm.s32 @p2 $0x1082  }
0x22: {  	[simem:s7], [sflag:s8] =	dma.local @!p0 [hbm:s6], $0xF7A  }
0x23: {  	s9 =	sor.u32 $0xD0000000, s2;
	s6 =	simm.s32 $0x108;
	_ =	swait.ge @!p0 [sflag:s8], $0x0  }
0x24: {  	s3 =	sadd.s32 $0x88, s3;
	s6 =	simm.s32 @!p1 $0x1082;
	[sflag:s4] =	ssyncset.s32 $0xFFFFF086  }
0x25: {  	[simem:s6], [sflag:s4] =	dma.local [hbm:s3], $0xF7A  }
0x26: {  	[smem:$0x3F95] =	sst s1;
	(tag) =	ssettag s2;
	_ =	strace s9  }
0x27: {  	s1 =	sld [smem:$0x3FA5]  }
0x28: {  	s2 =	sld [smem:$0x3FA6]  }
0x29: {  	s4 =	sld [smem:$0x3FA8]  }
0x2a: {  	p0 =	seq.s32 s5, $0x0;
	s5 =	sld [smem:$0x3FA9]  }
0x2b: {  	s6 =	sld [smem:$0x3FAA]  }
0x2c: {  	s7 =	sld [smem:$0x3FAB]  }
0x2d: {  	s3 =	simm.s32 $0x108;
	s8 =	sld [smem:$0x3FAC]  }
0x2e: {  	s3 =	simm.s32 @!p0 $0x1082;
	s9 =	sld [smem:$0x3FAD]  }
0x2f: {  	lr =	sadd.s32 s0, s3;
	s0 =	sld [smem:$0x3FA4]  }
0x30: {  	s3 =	sld [smem:$0x3FA7]  }
0x31: {  	[smem:$0x3FB0] =	sst s10  }
0x32: {  	s10 =	sld [smem:$0x3FAE];
	_ =	sdelay $0x3  }
0x33: {  	p0 =	seq.s32 s10, $0x1;
	s10 =	sld [smem:$0x3FB0];
	_ =	sdelay $0x3  }
0x34: {  	[smem:$0x3FB0] =	sst s10  }
0x35: {  	s10 =	sld [smem:$0x3FAF];
	_ =	sdelay $0x3  }
0x36: {  	p1 =	seq.s32 s10, $0x1;
	s10 =	sld [smem:$0x3FB0];
	_ =	sdelay $0x3  }
0x37: {  	[smem:$0x3FB0] =	sst s10  }
0x38: {  	s10 =	sld [smem:$0x3FB1]  }
0x39: {  	_ = 	snop;
	(pc) =	sbr.ind lr, $3  }
0x3a: {  	_ = 	snop  }
0x3b: {  	_ = 	snop  }
0x3c: {  	p2 =	seq.s32 s10, $0x1;
	s10 =	sld [smem:$0x3FB0]  }
0x3d: {  	_ =	shalt  }
0x3e: {  	_ =	shalt  }
0x3f: {  	_ =	shalt  }
0x40: {  	_ =	shalt  }
0x41: {  	_ =	shalt  }
0x42: {  	_ =	shalt  }
0x43: {  	_ =	shalt  }
0x44: {  	_ =	shalt  }
0x45: {  	_ =	shalt  }
0x46: {  	_ =	shalt  }
0x47: {  	_ =	shalt  }
0x48: {  	_ =	shalt  }
0x49: {  	_ =	shalt  }
0x4a: {  	_ =	shalt  }
0x4b: {  	_ =	shalt  }
0x4c: {  	_ =	shalt  }
0x4d: {  	_ =	shalt  }
0x4e: {  	_ =	shalt  }
0x4f: {  	_ =	shalt  }
0x50: {  	_ =	shalt  }
0x51: {  	_ =	shalt  }
0x52: {  	_ =	shalt  }
0x53: {  	_ =	shalt  }
0x54: {  	_ =	shalt  }
0x55: {  	_ =	shalt  }
0x56: {  	_ =	shalt  }
0x57: {  	_ =	shalt  }
0x58: {  	_ =	shalt  }
0x59: {  	_ =	shalt  }
0x5a: {  	_ =	shalt  }
0x5b: {  	_ =	shalt  }
0x5c: {  	_ =	shalt  }
0x5d: {  	_ =	shalt  }
0x5e: {  	_ =	shalt  }
0x5f: {  	_ =	shalt  }
0x60: {  	_ =	shalt  }
0x61: {  	_ =	shalt  }
0x62: {  	_ =	shalt  }
0x63: {  	_ =	shalt  }
0x64: {  	_ =	shalt  }
0x65: {  	_ =	shalt  }
0x66: {  	_ =	shalt  }
0x67: {  	_ =	shalt  }
0x68: {  	_ =	shalt  }
0x69: {  	_ =	shalt  }
0x6a: {  	_ =	shalt  }
0x6b: {  	_ =	shalt  }
0x6c: {  	_ =	shalt  }
0x6d: {  	_ =	shalt  }
0x6e: {  	_ =	shalt  }
0x6f: {  	_ =	shalt  }
0x70: {  	_ =	shalt  }
0x71: {  	_ =	shalt  }
0x72: {  	_ =	shalt  }
0x73: {  	_ =	shalt  }
0x74: {  	_ =	shalt  }
0x75: {  	_ =	shalt  }
0x76: {  	_ =	shalt  }
0x77: {  	_ =	shalt  }
0x78: {  	_ =	shalt  }
0x79: {  	_ =	shalt  }
0x7a: {  	_ =	shalt  }
0x7b: {  	_ =	shalt  }
0x7c: {  	_ =	shalt  }
0x7d: {  	_ =	shalt  }
0x7e: {  	_ =	shalt  }
0x7f: {  	_ =	shalt  }
0x80: {  	_ =	shalt  }
0x81: {  	_ =	shalt  }
0x82: {  	_ =	shalt  }
0x83: {  	_ =	shalt  }
0x84: {  	_ =	shalt  }
0x85: {  	_ =	shalt  }
0x86: {  	_ =	shalt  }
0x87: {  	_ =	shalt  }
.Lfunc_end0:
.L_simem_size_0:
called_computation.1_lowered:
.L_overlay_start_0:
0x88: {  	s2 =	sld [smem:$0x3FD9]  }
0x89: {  	s3 =	sld [smem:$0x3FFE];
	_ =	sdelay $0x1  }
0x8a: {  	s1 =	srdreg.scid  }
0x8b: {  	s0 =	sand.u32 $0x1, s1  }
0x8c: {  	s16 =	sshll.u32 s0, $0xA;
	s2 =	sadd.s32 s3, s2  }
0x8d: {  	s2 =	sadd.s32 s2, s16  }
0x8e: {  	[smem:$0x3FBC] =	sst s2  }
0x8f: {  	_ = 	snop  }
0x90: {  	(tm) =	ssettm $0x1  }
0x91: {  	s17 =	sld [smem:$0x3FFB];
	_ =	sdelay $0x3  }
0x92: {  	_ =	strace s17  }
0x93: {  	s2 =	sld [smem:$0x3FFC];
	_ =	sdelay $0x3  }
0x94: {  	_ =	strace s2  }
0x95: {  	s2 =	sld [smem:$0x3FFD];
	_ =	sdelay $0x3  }
0x96: {  	_ =	strace s2  }
0x97: {  	_ =	strace $0x8FFFFFFF  }
0x98: {  	s18 =	sld [smem:$0x3FDB];
	_ =	sdelay $0x1  }
0x99: {  	s19 =	simm.s32 $_scs_section_size  }
0x9a: {  	s4 =	simm.s32 $_size__tile_overlayer_lowered;
	s5 =	simm.s32 $_tile_overlayer_lowered  }
0x9b: {  	s22 =	simm.s32 $0x1BFF;
	s21 =	sshll.u32 s5, $0x1;
	s2 =	sadd.s32 s19, s18  }
0x9c: {  	s6 =	simm.s32 $0x0;
	s20 =	sshll.u32 s4, $0x1;
	s4 =	sadd.s32 s21, s2  }
0x9d: {  	[timem:s6], [sflag:s22] =	dma.local [hbm:s4], s20  }
0x9e: {  	_ =	swait.ge [sflag:s22], s20  }
0x9f: {  	s3 =	ssub.s32 $0x0, s20;
	[sflag:s22] =	ssyncset.done $0x0  }
0xa0: {  	[sflag:s22] =	ssyncadd.s32 s3;
	_ =	sdelay $0x1  }
0xa1: {  	s23 =	simm.s32 $0x1B8B  }
0xa2: {  	_ =	swait.ge [sflag:s23], $0x1  }
0xa3: {  	[sflag:s23] =	ssyncset.done $0x0  }
0xa4: {  	s25 =	simm.s32 $0x1B8E;
	s24 =	sld [smem:$0x3FFE];
	[sflag:s23] =	ssyncadd.s32 $0xFFFFFFFF  }
0xa5: {  	s26 =	simm.s32 $execute0_lowered;
	[smem:$0x3FD2] =	sst s25  }
0xa6: {  	s4 =	sshll.u32 s26, $0x1;
	_ =	strace $0x80000049;
	[dreg:$0x1] =	wrdreg $0xFFFFFFFF  }
0xa7: {  	s28 =	simm.s32 $_size_execute0_lowered;
	s2 =	sadd.s32 s2, s4;
	[dreg:$0x0] =	wrdreg $0x0  }
0xa8: {  	s4 =	sshll.u32 s28, $0x1;
	[dreg:$0x2] =	wrdreg s2  }
0xa9: {  	[dreg:$0x3] =	wrdreg s4  }
0xaa: {  	[dreg:$0x4] =	wrdreg $0xC0  }
0xab: {  	_ =	task [dreg:s6], $0x5FFFF  }
0xac: {  	[dreg:$0x1] =	wrdreg $0xFFFFFFFF  }
0xad: {  	[dreg:$0x0] =	wrdreg $0x60  }
0xae: {  	[dreg:$0x2] =	wrdreg s24  }
0xaf: {  	[dreg:$0x3] =	wrdreg $0x9  }
0xb0: {  	_ =	task.clear_ibuf [dreg:s6], $0x4FFFF;
	_ =	strace $0x90000049  }
0xb1: {  	s29 =	simm.s32 $0x9;
	_ =	strace $0x8000004B  }
0xb2: {  	_ =	swait.ge [sflag:s29], $0x1  }
0xb3: {  	[sflag:s29] =	ssyncadd.s32 $0xFFFFFFFF  }
0xb4: {  	_ =	strace $0x9000004B  }
0xb5: {  	_ =	sfence  }
0xb6: {  	s30 =	sld [smem:$0x0];
	_ =	sdelay $0x2  }
0xb7: {  	s31 =	sshll.u32 s1, $0xD;
	s1 =	sshrl.u32 s1, $0x2  }
0xb8: {  	s3 =	sand.u32 $0x4000, s31;
	s1 =	sadd.s32 s1, s30  }
0xb9: {  	s0 =	sor.u32 s3, s0;
	s1 =	sshll.u32 s1, $0x11  }
0xba: {  	s0 =	sor.u32 s1, s0  }
0xbb: {  	s0 =	sadd.s32 $0x8F2B, s0  }
0xbc: {  	[sflag:s0] =	ssyncadd.remote.s32 $0x1  }
0xbd: {  	_ =	sfence.sel $0xFFFF  }
0xbe: {  	[dreg:$0x0] =	wrdreg $0xFFFFFFFF;
	(pc) =	sbr.abs _section_cstart, $3  }
0xbf: {  	[dreg:$0x1] =	wrdreg $0xFFFFFFFF  }
0xc0: {  	_ =	task.clear_ibuf [dreg:s6], $0x2FFFF;
	_ =	strace $0x9FFFFFFF  }
0xc1: {  	(tm) =	ssettm $0x7FFFFFFF  }
tec
execute0_lowered:
.L_overlay_start_1:
0x0: {  	(tag) =	ssettag $0x1  }
0x1: {  	s1 =	srdreg.scid  }
0x2: {  	s0 =	stileid.u32;
	s12 =	sand.u32 $0x1, s1  }
0x3: {  	s11 =	rddreg [dreg:$0x0];
	s3 =	sshll.u32 s0, $0x8;
	s4 =	sshll.u32 s12, $0x7  }
0x4: {  	s2 =	simm.s32 $0x0;
	s1 =	rddreg [dreg:$0x1];
	s13 =	sor.u32 s4, s3  }
0x5: {  	[smem:$0x7FF] =	sst s2;
	s5 =	sadd.s32 $0xC3200, s11;
	s3 =	sshrl.u32 s13, $0x3  }
0x6: {  	_ =	strace $0x8000004A;
	s4 =	sadd.s32 s5, s3;
	s3 =	simm.s32 $0x2  }
0x7: {  	[tilespmem:s2], [sflag:$0x2] =	stream.linear.gather [hbm4b:s4+s2], $0x40, $0x38;
	[tilespmem:$0x10100] =	vst v63  }
0x8: {  	s14 =	sor.u32 $0x40, s13;
	_ =	swait.ge [sflag:s3], $0x40  }
0x9: {  	s6 =	sshrl.u32 s14, $0x3;
	[sflag:s3] =	ssyncset.done $0x0  }
0xa: {  	s5 =	sadd.s32 s5, s6;
	s6 =	simm.s32 $0x80;
	[sflag:s3] =	ssyncadd.s32 $0xFFFFFFC0  }
0xb: {  	[tilespmem:s6], [sflag:$0x2] =	stream.linear.gather [hbm4b:s5+s2], $0x40, $0x38;
	[tilespmem:$0x10100] =	vst v63  }
0xc: {  	_ =	swait.ge [sflag:s3], $0x40  }
0xd: {  	s8 =	simm.s32 $0x40;
	s9 =	simm.s32 $0x100;
	[sflag:s3] =	ssyncset.done $0x0  }
0xe: {  	s10 =	simm.s32 $0x1;
	s7 =	sadd.s32 $0xC3400, s11;
	[sflag:s3] =	ssyncadd.s32 $0xFFFFFFC0  }
0xf: {  	[tilespmem:s9], [sflag:$0x1] =	stream.indirect.gather [hbm4b:s7+s8], $0x400, s2, s8, $0xb8;
	[tilespmem:$0x10100] =	vst v63  }
0x10: {  	_ =	swait.ge [sflag:s10], $0x10000  }
0x11: {  	s15 =	sadd.s32 $0x2E00, s11;
	s29 =	sshll.u32 s13, $0x7;
	[sflag:s10] =	ssyncset.done $0x0  }
0x12: {  	s12 =	ssub.s32 $0x2, s12;
	s11 =	sadd.s32 s15, s29;
	[sflag:s10] =	ssyncadd.s32 $0xFFFF0000  }
0x13: {  	[hbm4b:s11+s2] =	stream.linear.scatter [tilespmem:s9], [sflag:$0x2], $0x10000, $0x38;
	[tilespmem:$0x10100] =	vst v63  }
0x14: {  	s30 =	sshrl.u32 s12, $0x1;
	_ =	swait.ge [sflag:s3], $0x10000  }
0x15: {  	s13 =	ssub.s32 s12, s30;
	[sflag:s3] =	ssyncset.done $0x0  }
0x16: {  	s13 =	smax.u32 s13, $0x1;
	[sflag:s3] =	ssyncadd.s32 $0xFFFF0000  }
0x17: {  	[tilespmem:s9], [sflag:$0x1] =	stream.indirect.gather [hbm4b:s7+s8], $0x400, s6, s8, $0xb8;
	[tilespmem:$0x10100] =	vst v63  }
0x18: {  	p0 =	sne.s32 s13, $0x1;
	_ =	swait.ge [sflag:s10], $0x10000  }
.Ltmp0:
0x19: {  	s31 =	sshll.u32 s14, $0x7;
	[sflag:s10] =	ssyncset.done $0x0;
	(pc) =	sbr.rel @!p0 .LBB2_2-.Ltmp0, $4  }
0x1a: {  	s12 =	sadd.s32 s15, s31;
	[sflag:s10] =	ssyncadd.s32 $0xFFFF0000  }
0x1b: {  	[hbm4b:s12+s2] =	stream.linear.scatter [tilespmem:s9], [sflag:$0x2], $0x10000, $0x38;
	[tilespmem:$0x10100] =	vst v63  }
0x1c: {  	_ =	swait.ge [sflag:s3], $0x10000  }
0x1d: {  	s13 =	sadd.s32 $0xFFFFFFFF, s13;
	[sflag:s3] =	ssyncset.done $0x0  }
.LBB2_1:
0x1e: {  	p0 =	sne.s32 s13, $0x1;
	s13 =	sadd.s32 $0xFFFFFFFF, s13;
	[sflag:s3] =	ssyncadd.s32 $0xFFFF0000  }
0x1f: {  	[tilespmem:s2], [sflag:$0x2] =	stream.linear.gather [hbm4b:s4+s2], $0x40, $0x38;
	[tilespmem:$0x10100] =	vst v63  }
0x20: {  	_ =	swait.ge [sflag:s3], $0x40  }
0x21: {  	[sflag:s3] =	ssyncset.done $0x0  }
0x22: {  	[sflag:s3] =	ssyncadd.s32 $0xFFFFFFC0  }
0x23: {  	[tilespmem:s6], [sflag:$0x2] =	stream.linear.gather [hbm4b:s5+s2], $0x40, $0x38;
	[tilespmem:$0x10100] =	vst v63  }
0x24: {  	_ =	swait.ge [sflag:s3], $0x40  }
0x25: {  	[sflag:s3] =	ssyncset.done $0x0  }
0x26: {  	[sflag:s3] =	ssyncadd.s32 $0xFFFFFFC0  }
0x27: {  	[tilespmem:s9], [sflag:$0x1] =	stream.indirect.gather [hbm4b:s7+s8], $0x400, s2, s8, $0xb8;
	[tilespmem:$0x10100] =	vst v63  }
0x28: {  	_ =	swait.ge [sflag:s10], $0x10000  }
0x29: {  	[sflag:s10] =	ssyncset.done $0x0  }
0x2a: {  	[sflag:s10] =	ssyncadd.s32 $0xFFFF0000  }
0x2b: {  	[hbm4b:s11+s2] =	stream.linear.scatter [tilespmem:s9], [sflag:$0x2], $0x10000, $0x38;
	[tilespmem:$0x10100] =	vst v63  }
0x2c: {  	_ =	swait.ge [sflag:s3], $0x10000  }
0x2d: {  	[sflag:s3] =	ssyncset.done $0x0  }
0x2e: {  	[sflag:s3] =	ssyncadd.s32 $0xFFFF0000  }
0x2f: {  	[tilespmem:s9], [sflag:$0x1] =	stream.indirect.gather [hbm4b:s7+s8], $0x400, s6, s8, $0xb8;
	[tilespmem:$0x10100] =	vst v63  }
0x30: {  	_ =	swait.ge [sflag:s10], $0x10000  }
.Ltmp1:
0x31: {  	[sflag:s10] =	ssyncset.done $0x0;
	(pc) =	sbr.rel @p0 .LBB2_1-.Ltmp1, $4  }
0x32: {  	[sflag:s10] =	ssyncadd.s32 $0xFFFF0000  }
0x33: {  	[hbm4b:s12+s2] =	stream.linear.scatter [tilespmem:s9], [sflag:$0x2], $0x10000, $0x38;
	[tilespmem:$0x10100] =	vst v63  }
0x34: {  	_ =	swait.ge [sflag:s3], $0x10000  }
0x35: {  	[sflag:s3] =	ssyncset.done $0x0  }
.LBB2_2:
0x36: {  	[sflag:s3] =	ssyncadd.s32 $0xFFFF0000  }
0x37: {  	_ =	sfence.sel $0x180000  }
0x38: {  	[bflag:$0x0] =	sbarrier.arrive $0xFFFF  }
0x39: {  	p0 =	sne.s32 s0, $0x0;
	_ =	strace $0x9000004A  }
0x3a: {  	s0 =	sadd.s32 @!p0 $0x100000, s1;
	[bflag:$0x2] =	sbarrier.arrive $0xFFFF  }
0x3b: {  	[sflag:s0] =	ssyncadd.tile.s32 @!p0 $0x1;
	_ =	shalt  }
.Lfunc_end2:
_tile_overlayer_lowered:
.L_overlay_start_2:
0x3c: {  	(tag) =	ssettag $0x2  }
0x3d: {  	s0 =	rddreg [dreg:$0x0];
	s2 =	stileid.u32  }
0x3e: {  	s1 =	rddreg [dreg:$0x1];
	p0 =	sne.s32 s2, $0x0  }
0x3f: {  	s3 =	rddreg [dreg:$0x2];
	[bflag:$0x3] =	sbarrier.arrive $0xFFFF;
	s2 =	simm.s32 @!p0 $0x1C02  }
0x40: {  	[timem:s3], [sflag:s2] =	dma.local @!p0 [hbm:s0], s1  }
0x41: {  	s0 =	simm.s32 @!p0 $0x2  }
0x42: {  	_ =	swait.ge @!p0 [sflag:s0], s1  }
0x43: {  	s1 =	ssub.s32 @!p0 $0x0, s1;
	[sflag:s0] =	ssyncset.done @!p0 $0x0  }
0x44: {  	[sflag:s0] =	ssyncadd.s32 @!p0 s1  }
0x45: {  	[bflag:$0x3] =	sbarrier.arrive $0xFFFF  }
0x46: {  	_ =	shalt  }

// kernel: kernel.7.cloned.1.call-start
scs
__scs_entry_jumppad:
0x0: {  	(pc) =	sbr.rel $0x88, $3  }
0x1: {  	(tag) =	ssettag $0x0;
	lr =	simm.s32 $0x1  }
0x2: {  	[smem:$0x3F95] =	sst lr;
	_ =	strace $0xD0000000  }
0x3: {  	_ = 	snop  }
0x4: {  	_ = 	snop  }
0x5: {  	_ = 	snop  }
0x6: {  	_ = 	snop  }
0x7: {  	_ = 	snop  }
__scs_overlays_trampoline_lowered:
0x8: {  	[smem:$0x3FA4] =	sst s0  }
0x9: {  	[smem:$0x3FA5] =	sst s1  }
0xa: {  	[smem:$0x3FA6] =	sst s2  }
0xb: {  	[smem:$0x3FA7] =	sst s3  }
0xc: {  	[smem:$0x3FA8] =	sst s4  }
0xd: {  	[smem:$0x3FA9] =	sst s5  }
0xe: {  	[smem:$0x3FAA] =	sst s6  }
0xf: {  	[smem:$0x3FAB] =	sst s7  }
0x10: {  	[smem:$0x3FAC] =	sst s8  }
0x11: {  	[smem:$0x3FAD] =	sst s9;
	s0 =	simm.s32 @!p0 $0x0  }
0x12: {  	s1 =	sld [smem:$0x3F93];
	s0 =	simm.s32 @p0 $0x1  }
0x13: {  	[smem:$0x3FAE] =	sst s0;
	s0 =	simm.s32 @!p1 $0x0  }
0x14: {  	s2 =	sld [smem:$0x3F92];
	s0 =	simm.s32 @p1 $0x1  }
0x15: {  	[smem:$0x3FAF] =	sst s0;
	s0 =	simm.s32 @!p2 $0x0  }
0x16: {  	s3 =	sld [smem:$0x3FDB];
	s0 =	simm.s32 @p2 $0x1  }
0x17: {  	s4 =	simm.s32 $0x1BF5;
	[smem:$0x3FB1] =	sst s0  }
0x18: {  	s0 =	sld [smem:$0x3F94];
	_ =	swait.ge [sflag:s4], $0x0  }
0x19: {  	s7 =	sld [smem:$0x3F95]  }
0x1a: {  	s8 =	sadd.s32 $0xFFFFE003, lr  }
0x1b: {  	s9 =	sadd.s32 $0xFFFFFEF7, lr;
	s5 =	simm.s32 $0xFFFFFFFF;
	p2 =	slt.u32 s8, $0xFFFFF086  }
0x1c: {  	p1 =	slt.u32 s9, $0xF7A;
	s5 =	simm.s32 @!p2 $0x0  }
0x1d: {  	s5 =	simm.s32 @p1 $0x1;
	p0 =	seq.s32 s7, s2  }
0x1e: {  	s7 =	smul.u32 @!p0 $0xF7A, s2;
	p2 =	seq.s32 @!p0 s5, $0x0  }
0x1f: {  	s9 =	smul.u32 $0xF7A, s1;
	s8 =	simm.s32 @!p0 $0x1BF5;
	p2 =	por !p2, p0  }
0x20: {  	[sflag:s8] =	ssyncset.s32 @!p0 $0xFFFFF086;
	s6 =	sadd.s32 @!p0 s3, s7;
	s7 =	simm.s32 @!p0 $0x108  }
0x21: {  	s3 =	sadd.s32 s3, s9;
	s6 =	sadd.s32 @!p0 $0x88, s6;
	s7 =	simm.s32 @p2 $0x1082  }
0x22: {  	[simem:s7], [sflag:s8] =	dma.local @!p0 [hbm:s6], $0xF7A  }
0x23: {  	s9 =	sor.u32 $0xD0000000, s2;
	s6 =	simm.s32 $0x108;
	_ =	swait.ge @!p0 [sflag:s8], $0x0  }
0x24: {  	s3 =	sadd.s32 $0x88, s3;
	s6 =	simm.s32 @!p1 $0x1082;
	[sflag:s4] =	ssyncset.s32 $0xFFFFF086  }
0x25: {  	[simem:s6], [sflag:s4] =	dma.local [hbm:s3], $0xF7A  }
0x26: {  	[smem:$0x3F95] =	sst s1;
	(tag) =	ssettag s2;
	_ =	strace s9  }
0x27: {  	s1 =	sld [smem:$0x3FA5]  }
0x28: {  	s2 =	sld [smem:$0x3FA6]  }
0x29: {  	s4 =	sld [smem:$0x3FA8]  }
0x2a: {  	p0 =	seq.s32 s5, $0x0;
	s5 =	sld [smem:$0x3FA9]  }
0x2b: {  	s6 =	sld [smem:$0x3FAA]  }
0x2c: {  	s7 =	sld [smem:$0x3FAB]  }
0x2d: {  	s3 =	simm.s32 $0x108;
	s8 =	sld [smem:$0x3FAC]  }
0x2e: {  	s3 =	simm.s32 @!p0 $0x1082;
	s9 =	sld [smem:$0x3FAD]  }
0x2f: {  	lr =	sadd.s32 s0, s3;
	s0 =	sld [smem:$0x3FA4]  }
0x30: {  	s3 =	sld [smem:$0x3FA7]  }
0x31: {  	[smem:$0x3FB0] =	sst s10  }
0x32: {  	s10 =	sld [smem:$0x3FAE];
	_ =	sdelay $0x3  }
0x33: {  	p0 =	seq.s32 s10, $0x1;
	s10 =	sld [smem:$0x3FB0];
	_ =	sdelay $0x3  }
0x34: {  	[smem:$0x3FB0] =	sst s10  }
0x35: {  	s10 =	sld [smem:$0x3FAF];
	_ =	sdelay $0x3  }
0x36: {  	p1 =	seq.s32 s10, $0x1;
	s10 =	sld [smem:$0x3FB0];
	_ =	sdelay $0x3  }
0x37: {  	[smem:$0x3FB0] =	sst s10  }
0x38: {  	s10 =	sld [smem:$0x3FB1]  }
0x39: {  	_ = 	snop;
	(pc) =	sbr.ind lr, $3  }
0x3a: {  	_ = 	snop  }
0x3b: {  	_ = 	snop  }
0x3c: {  	p2 =	seq.s32 s10, $0x1;
	s10 =	sld [smem:$0x3FB0]  }
0x3d: {  	_ =	shalt  }
0x3e: {  	_ =	shalt  }
0x3f: {  	_ =	shalt  }
0x40: {  	_ =	shalt  }
0x41: {  	_ =	shalt  }
0x42: {  	_ =	shalt  }
0x43: {  	_ =	shalt  }
0x44: {  	_ =	shalt  }
0x45: {  	_ =	shalt  }
0x46: {  	_ =	shalt  }
0x47: {  	_ =	shalt  }
0x48: {  	_ =	shalt  }
0x49: {  	_ =	shalt  }
0x4a: {  	_ =	shalt  }
0x4b: {  	_ =	shalt  }
0x4c: {  	_ =	shalt  }
0x4d: {  	_ =	shalt  }
0x4e: {  	_ =	shalt  }
0x4f: {  	_ =	shalt  }
0x50: {  	_ =	shalt  }
0x51: {  	_ =	shalt  }
0x52: {  	_ =	shalt  }
0x53: {  	_ =	shalt  }
0x54: {  	_ =	shalt  }
0x55: {  	_ =	shalt  }
0x56: {  	_ =	shalt  }
0x57: {  	_ =	shalt  }
0x58: {  	_ =	shalt  }
0x59: {  	_ =	shalt  }
0x5a: {  	_ =	shalt  }
0x5b: {  	_ =	shalt  }
0x5c: {  	_ =	shalt  }
0x5d: {  	_ =	shalt  }
0x5e: {  	_ =	shalt  }
0x5f: {  	_ =	shalt  }
0x60: {  	_ =	shalt  }
0x61: {  	_ =	shalt  }
0x62: {  	_ =	shalt  }
0x63: {  	_ =	shalt  }
0x64: {  	_ =	shalt  }
0x65: {  	_ =	shalt  }
0x66: {  	_ =	shalt  }
0x67: {  	_ =	shalt  }
0x68: {  	_ =	shalt  }
0x69: {  	_ =	shalt  }
0x6a: {  	_ =	shalt  }
0x6b: {  	_ =	shalt  }
0x6c: {  	_ =	shalt  }
0x6d: {  	_ =	shalt  }
0x6e: {  	_ =	shalt  }
0x6f: {  	_ =	shalt  }
0x70: {  	_ =	shalt  }
0x71: {  	_ =	shalt  }
0x72: {  	_ =	shalt  }
0x73: {  	_ =	shalt  }
0x74: {  	_ =	shalt  }
0x75: {  	_ =	shalt  }
0x76: {  	_ =	shalt  }
0x77: {  	_ =	shalt  }
0x78: {  	_ =	shalt  }
0x79: {  	_ =	shalt  }
0x7a: {  	_ =	shalt  }
0x7b: {  	_ =	shalt  }
0x7c: {  	_ =	shalt  }
0x7d: {  	_ =	shalt  }
0x7e: {  	_ =	shalt  }
0x7f: {  	_ =	shalt  }
0x80: {  	_ =	shalt  }
0x81: {  	_ =	shalt  }
0x82: {  	_ =	shalt  }
0x83: {  	_ =	shalt  }
0x84: {  	_ =	shalt  }
0x85: {  	_ =	shalt  }
0x86: {  	_ =	shalt  }
0x87: {  	_ =	shalt  }
.Lfunc_end0:
.L_simem_size_0:
called_computation_lowered:
.L_overlay_start_0:
0x88: {  	s2 =	sld [smem:$0x3FD9]  }
0x89: {  	s3 =	sld [smem:$0x3FFE];
	_ =	sdelay $0x1  }
0x8a: {  	s1 =	srdreg.scid  }
0x8b: {  	s0 =	sand.u32 $0x1, s1  }
0x8c: {  	s17 =	sshll.u32 s0, $0xA;
	s2 =	sadd.s32 s3, s2  }
0x8d: {  	s2 =	sadd.s32 s2, s17  }
0x8e: {  	[smem:$0x3FBC] =	sst s2  }
0x8f: {  	_ = 	snop  }
0x90: {  	s2 =	sld [smem:$0x3FD0];
	(tm) =	ssettm $0x1  }
0x91: {  	s18 =	sld [smem:$0x3FFB];
	_ =	sdelay $0x3  }
0x92: {  	_ =	strace s18  }
0x93: {  	s3 =	sld [smem:$0x3FFC];
	_ =	sdelay $0x3  }
0x94: {  	_ =	strace s3  }
0x95: {  	s3 =	sld [smem:$0x3FFD];
	_ =	sdelay $0x3  }
0x96: {  	_ =	strace s3  }
0x97: {  	_ =	strace $0x8FFFFFFF  }
0x98: {  	s19 =	sld [smem:$0x3FDB];
	_ =	sdelay $0x1  }
0x99: {  	s4 =	simm.s32 $_scs_section_size  }
0x9a: {  	s5 =	simm.s32 $_size__tile_overlayer_lowered;
	s6 =	simm.s32 $_tile_overlayer_lowered  }
0x9b: {  	s22 =	simm.s32 $0x1BFF;
	s21 =	sshll.u32 s6, $0x1;
	s3 =	sadd.s32 s4, s19  }
0x9c: {  	s7 =	simm.s32 $0x0;
	s20 =	sshll.u32 s5, $0x1;
	s5 =	sadd.s32 s21, s3  }
0x9d: {  	[timem:s7], [sflag:s22] =	dma.local [hbm:s5], s20  }
0x9e: {  	_ =	swait.ge [sflag:s22], s20  }
0x9f: {  	s4 =	ssub.s32 $0x0, s20;
	[sflag:s22] =	ssyncset.done $0x0  }
0xa0: {  	[sflag:s22] =	ssyncadd.s32 s4;
	_ =	sdelay $0x1  }
0xa1: {  	s23 =	simm.s32 $0x1B8B  }
0xa2: {  	_ =	swait.ge [sflag:s23], $0x1  }
0xa3: {  	[sflag:s23] =	ssyncset.done $0x0  }
0xa4: {  	s25 =	simm.s32 $0x1B8E;
	s24 =	sld [smem:$0x3FFE];
	[sflag:s23] =	ssyncadd.s32 $0xFFFFFFFF  }
0xa5: {  	s26 =	simm.s32 $execute0_lowered;
	[smem:$0x3FD2] =	sst s25  }
0xa6: {  	s5 =	sshll.u32 s26, $0x1;
	_ =	strace $0x80000046;
	[dreg:$0x1] =	wrdreg $0xFFFFFFFF  }
0xa7: {  	s28 =	simm.s32 $_size_execute0_lowered;
	s3 =	sadd.s32 s3, s5;
	[dreg:$0x0] =	wrdreg $0x0  }
0xa8: {  	s5 =	sshll.u32 s28, $0x1;
	[dreg:$0x2] =	wrdreg s3  }
0xa9: {  	[dreg:$0x3] =	wrdreg s5  }
0xaa: {  	[dreg:$0x4] =	wrdreg $0xC0  }
0xab: {  	_ =	task [dreg:s7], $0x5FFFF  }
0xac: {  	[dreg:$0x1] =	wrdreg $0xFFFFFFFF  }
0xad: {  	[dreg:$0x0] =	wrdreg $0x60  }
0xae: {  	[dreg:$0x2] =	wrdreg s2  }
0xaf: {  	[dreg:$0x3] =	wrdreg s24  }
0xb0: {  	[dreg:$0x4] =	wrdreg $0x9  }
0xb1: {  	_ =	task.clear_ibuf [dreg:s7], $0x5FFFF;
	_ =	strace $0x90000046  }
0xb2: {  	s29 =	simm.s32 $0x9;
	_ =	strace $0x80000048  }
0xb3: {  	_ =	swait.ge [sflag:s29], $0x1  }
0xb4: {  	[sflag:s29] =	ssyncadd.s32 $0xFFFFFFFF  }
0xb5: {  	_ =	strace $0x90000048  }
0xb6: {  	_ =	sfence  }
0xb7: {  	s30 =	sld [smem:$0x0];
	_ =	sdelay $0x2  }
0xb8: {  	s31 =	sshll.u32 s1, $0xD;
	s1 =	sshrl.u32 s1, $0x2  }
0xb9: {  	s3 =	sand.u32 $0x4000, s31;
	s1 =	sadd.s32 s1, s30  }
0xba: {  	s0 =	sor.u32 s3, s0;
	s1 =	sshll.u32 s1, $0x11  }
0xbb: {  	s0 =	sor.u32 s1, s0  }
0xbc: {  	s0 =	sadd.s32 $0x8F2B, s0  }
0xbd: {  	[sflag:s0] =	ssyncadd.remote.s32 $0x1  }
0xbe: {  	_ =	sfence.sel $0xFFFF  }
0xbf: {  	[dreg:$0x0] =	wrdreg $0xFFFFFFFF;
	(pc) =	sbr.abs _section_cstart, $3  }
0xc0: {  	[dreg:$0x1] =	wrdreg $0xFFFFFFFF  }
0xc1: {  	_ =	task.clear_ibuf [dreg:s7], $0x2FFFF;
	_ =	strace $0x9FFFFFFF  }
0xc2: {  	(tm) =	ssettm $0x7FFFFFFF  }
0xc3: {  	_ =	shalt  }
tec
execute0_lowered:
.L_overlay_start_1:
0x0: {  	(tag) =	ssettag $0x1  }
0x1: {  	s1 =	srdreg.scid  }
0x2: {  	s0 =	stileid.u32;
	s10 =	sand.u32 $0x1, s1  }
0x3: {  	s31 =	sshll.u32 s0, $0x7;
	s2 =	sshll.u32 s10, $0x6  }
0x4: {  	s7 =	rddreg [dreg:$0x0];
	s8 =	sor.u32 s2, s31  }
0x5: {  	s9 =	rddreg [dreg:$0x1];
	s2 =	simm.s32 $0x0;
	s3 =	sshrl.u32 s8, $0x3  }
0x6: {  	s4 =	simm.s32 $0x2;
	[smem:$0x7FF] =	sst s2;
	s5 =	sadd.s32 s3, s9  }
0x7: {  	s1 =	rddreg [dreg:$0x2];
	_ =	strace $0x80000047;
	s3 =	sadd.s32 $0x3000, s5  }
0x8: {  	[tilespmem:s2], [sflag:$0x2] =	stream.linear.gather [hbm4b:s3+s2], $0x40, $0x38;
	[tilespmem:$0x10100] =	vst v63  }
0x9: {  	_ =	swait.ge [sflag:s4], $0x40  }
0xa: {  	[sflag:s4] =	ssyncset.done $0x0  }
0xb: {  	s6 =	simm.s32 $0x80;
	s5 =	sadd.s32 $0x2E00, s5;
	[sflag:s4] =	ssyncadd.s32 $0xFFFFFFC0  }
0xc: {  	[tilespmem:s6], [sflag:$0x2] =	stream.linear.gather [hbm4b:s5+s2], $0x40, $0x38;
	[tilespmem:$0x10100] =	vst v63  }
0xd: {  	_ =	swait.ge [sflag:s4], $0x40  }
0xe: {  	s12 =	ssub.s32 $0x2, s10;
	s8 =	sshll.u32 s8, $0x7;
	[sflag:s4] =	ssyncset.done $0x0  }
0xf: {  	s7 =	sadd.s32 s7, s8;
	s8 =	simm.s32 $0x100;
	[sflag:s4] =	ssyncadd.s32 $0xFFFFFFC0  }
0x10: {  	[tilespmem:s8], [sflag:$0x2] =	stream.linear.gather [hbm4b:s7+s2], $0x10000, $0x38;
	[tilespmem:$0x10100] =	vst v63  }
0x11: {  	s11 =	simm.s32 $0x40;
	s13 =	sshrl.u32 s12, $0x1;
	_ =	swait.ge [sflag:s4], $0x10000  }
0x12: {  	s10 =	simm.s32 $0x1;
	s12 =	ssub.s32 s12, s13;
	[sflag:s4] =	ssyncset.done $0x0  }
0x13: {  	s9 =	sadd.s32 $0x3200, s9;
	s12 =	smax.u32 s12, $0x1;
	[sflag:s4] =	ssyncadd.s32 $0xFFFF0000  }
0x14: {  	[hbm4b:s9+s11] =	stream.indirect.scatter [tilespmem:s8], [sflag:$0x1], $0x400, s2, s11, $0xb8;
	[tilespmem:$0x10100] =	vst v63  }
0x15: {  	p0 =	sne.s32 s12, $0x1;
	_ =	swait.ge [sflag:s10], $0x10000  }
.Ltmp0:
0x16: {  	[sflag:s10] =	ssyncset.done $0x0;
	(pc) =	sbr.rel @!p0 .LBB2_2-.Ltmp0, $4  }
0x17: {  	[sflag:s10] =	ssyncadd.s32 $0xFFFF0000  }
0x18: {  	[hbm4b:s9+s11] =	stream.indirect.scatter [tilespmem:s8], [sflag:$0x1], $0x400, s6, s11, $0xb8;
	[tilespmem:$0x10100] =	vst v63  }
0x19: {  	_ =	swait.ge [sflag:s10], $0x10000  }
0x1a: {  	s12 =	sadd.s32 $0xFFFFFFFF, s12;
	[sflag:s10] =	ssyncset.done $0x0  }
.LBB2_1:
0x1b: {  	p0 =	sne.s32 s12, $0x1;
	s12 =	sadd.s32 $0xFFFFFFFF, s12;
	[sflag:s10] =	ssyncadd.s32 $0xFFFF0000  }
0x1c: {  	[tilespmem:s2], [sflag:$0x2] =	stream.linear.gather [hbm4b:s3+s2], $0x40, $0x38;
	[tilespmem:$0x10100] =	vst v63  }
0x1d: {  	_ =	swait.ge [sflag:s4], $0x40  }
0x1e: {  	[sflag:s4] =	ssyncset.done $0x0  }
0x1f: {  	[sflag:s4] =	ssyncadd.s32 $0xFFFFFFC0  }
0x20: {  	[tilespmem:s6], [sflag:$0x2] =	stream.linear.gather [hbm4b:s5+s2], $0x40, $0x38;
	[tilespmem:$0x10100] =	vst v63  }
0x21: {  	_ =	swait.ge [sflag:s4], $0x40  }
0x22: {  	[sflag:s4] =	ssyncset.done $0x0  }
0x23: {  	[sflag:s4] =	ssyncadd.s32 $0xFFFFFFC0  }
0x24: {  	[tilespmem:s8], [sflag:$0x2] =	stream.linear.gather [hbm4b:s7+s2], $0x10000, $0x38;
	[tilespmem:$0x10100] =	vst v63  }
0x25: {  	_ =	swait.ge [sflag:s4], $0x10000  }
0x26: {  	[sflag:s4] =	ssyncset.done $0x0  }
0x27: {  	[sflag:s4] =	ssyncadd.s32 $0xFFFF0000  }
0x28: {  	[hbm4b:s9+s11] =	stream.indirect.scatter [tilespmem:s8], [sflag:$0x1], $0x400, s2, s11, $0xb8;
	[tilespmem:$0x10100] =	vst v63  }
0x29: {  	_ =	swait.ge [sflag:s10], $0x10000  }
.Ltmp1:
0x2a: {  	[sflag:s10] =	ssyncset.done $0x0;
	(pc) =	sbr.rel @p0 .LBB2_1-.Ltmp1, $4  }
0x2b: {  	[sflag:s10] =	ssyncadd.s32 $0xFFFF0000  }
0x2c: {  	[hbm4b:s9+s11] =	stream.indirect.scatter [tilespmem:s8], [sflag:$0x1], $0x400, s6, s11, $0xb8;
	[tilespmem:$0x10100] =	vst v63  }
0x2d: {  	_ =	swait.ge [sflag:s10], $0x10000  }
0x2e: {  	[sflag:s10] =	ssyncset.done $0x0  }
.LBB2_2:
0x2f: {  	[sflag:s10] =	ssyncadd.s32 $0xFFFF0000  }
0x30: {  	_ =	sfence.sel $0x180000  }
0x31: {  	[bflag:$0x0] =	sbarrier.arrive $0xFFFF  }
0x32: {  	p0 =	sne.s32 s0, $0x0;
	_ =	strace $0x90000047  }
0x33: {  	s0 =	sadd.s32 @!p0 $0x100000, s1;
	[bflag:$0x2] =	sbarrier.arrive $0xFFFF  }
0x34: {  	[sflag:s0] =	ssyncadd.tile.s32 @!p0 $0x1;
	_ =	shalt  }
.Lfunc_end2:
_tile_overlayer_lowered:
.L_overlay_start_2:
0x35: {  	(tag) =	ssettag $0x2  }
0x36: {  	s0 =	rddreg [dreg:$0x0];
	s2 =	stileid.u32  }
0x37: {  	s1 =	rddreg [dreg:$0x1];
	p0 =	sne.s32 s2, $0x0  }
0x38: {  	s3 =	rddreg [dreg:$0x2];
	[bflag:$0x3] =	sbarrier.arrive $0xFFFF;
	s2 =	simm.s32 @!p0 $0x1C02  }
0x39: {  	[timem:s3], [sflag:s2] =	dma.local @!p0 [hbm:s0], s1  }
0x3a: {  	s0 =	simm.s32 @!p0 $0x2  }
0x3b: {  	_ =	swait.ge @!p0 [sflag:s0], s1  }
0x3c: {  	s1 =	ssub.s32 @!p0 $0x0, s1;
	[sflag:s0] =	ssyncset.done @!p0 $0x0  }
0x3d: {  	[sflag:s0] =	ssyncadd.s32 @!p0 s1  }
0x3e: {  	[bflag:$0x3] =	sbarrier.arrive $0xFFFF  }
0x3f: {  	_ =	shalt  }

</sc_bundles>
